<compile_context>
chip_gen: v7x
topology: tpu7x:2x2x1
jax: 0.10.2.dev20260603
libtpu: 0.0.44.dev20260713+nightly
codegen_flags: <defaults>
</compile_context>

<pallas_src>
import functools

import jax
import jax.numpy as jnp
from jax import lax
from jax.experimental import pallas as pl
from jax.experimental.pallas import tpu as pltpu
from jax.experimental.pallas import tpu_sc as plsc

_NUM_ROW = 13
_NUM_COL = 15
_WIDTH = _NUM_ROW + _NUM_COL
_NTYPES = 118
_LUTPAD = 128

_N = 819200
_NW = 32
_BPW = _N // _NW
_LANES = 16
_NT = _N // 128
_TPW = _BPW // 128
_TPC = 10
_CHUNK = _TPC * 128
_NCHUNK = _BPW // _CHUNK
_GROUPS = _CHUNK // _LANES


def _sc_body(atoms_hbm, mask_hbm, out_hbm, idx_v, lut_v, tbuf_v, sem0, sem1):
    wid = lax.axis_index("s") * 2 + lax.axis_index("c")
    base = wid * _BPW
    tbase = wid * _TPW
    pltpu.sync_copy(mask_hbm, lut_v)
    pltpu.sync_copy(atoms_hbm.at[pl.ds(base, _BPW)], idx_v)

    sems = (sem0, sem1)

    def fill(c, slot):
        @plsc.parallel_loop(0, _GROUPS, unroll=2)
        def group(g):
            a0 = pl.multiple_of(c * _CHUNK + g * _LANES, _LANES)
            atoms = idx_v[pl.ds(a0, _LANES)]
            w = plsc.load_gather(lut_v, [atoms])
            at = g // 8
            i0 = pl.multiple_of((g % 8) * _LANES, _LANES)
            for j in range(_WIDTH):
                bit = lax.shift_right_logical(w, j) & 1
                tbuf_v[slot, j // 8, at, j % 8, pl.ds(i0, _LANES)] = bit

    def flush(c, slot):
        t0 = pl.multiple_of(tbase + c * _TPC, _TPC)
        pltpu.async_copy(
            tbuf_v.at[slot, pl.ds(0, 3)],
            out_hbm.at[pl.ds(0, 3), pl.ds(t0, _TPC)],
            sems[slot],
        )
        pltpu.async_copy(
            tbuf_v.at[slot, 3, :, pl.ds(0, 4)],
            out_hbm.at[3, pl.ds(t0, _TPC), pl.ds(0, 4)],
            sems[slot],
        )

    def drain(slot):
        pltpu.make_async_copy(
            out_hbm.at[pl.ds(0, 3), pl.ds(tbase, _TPC)],
            tbuf_v.at[slot, pl.ds(0, 3)],
            sems[slot],
        ).wait()
        pltpu.make_async_copy(
            out_hbm.at[3, pl.ds(tbase, _TPC), pl.ds(0, 4)],
            tbuf_v.at[slot, 3, :, pl.ds(0, 4)],
            sems[slot],
        ).wait()

    def super_step(cs, _):
        for slot in range(2):
            c = cs * 2 + slot

            @pl.when(cs > 0)
            def _():
                drain(slot)

            fill(c, slot)
            flush(c, slot)
        return 0

    lax.fori_loop(0, _NCHUNK // 2, super_step, 0)
    drain(0)
    drain(1)


def _sc_encode(atom_types, mask_lut):
    mesh = plsc.VectorSubcoreMesh(core_axis_name="c", subcore_axis_name="s")
    run = functools.partial(
        pl.kernel,
        mesh=mesh,
        out_type=jax.ShapeDtypeStruct((4, _NT, 8, 128), jnp.int32),
        scratch_types=[
            pltpu.VMEM((_BPW,), jnp.int32),
            pltpu.VMEM((_LUTPAD,), jnp.int32),
            pltpu.VMEM((2, 4, _TPC, 8, 128), jnp.int32),
            pltpu.SemaphoreType.DMA,
            pltpu.SemaphoreType.DMA,
        ],
        compiler_params=pltpu.CompilerParams(
            use_tc_tiling_on_sc=False, needs_layout_passes=False
        ),
    )(_sc_body)
    return run(atom_types, mask_lut)


def kernel(atom_types, reordered_indices):
    rolled = jnp.roll(reordered_indices, 1, axis=0)
    mask = (1 << rolled[:, 0]) | (1 << (_NUM_ROW + rolled[:, 1]))
    mask = jnp.zeros((_LUTPAD,), jnp.int32).at[:_NTYPES].set(mask.astype(jnp.int32))
    out4 = _sc_encode(atom_types, mask)
    return out4.transpose(1, 3, 0, 2).reshape(_N, 32)[:, :_WIDTH]

# --- scband reference (transcript-rebuilt; emitter-appended) ---
"""Pipeline reference for scband-type-table-module-49374944035034 (READ-ONLY COPY).

The authoritative reference and input builder live on the scoring server;
editing this copy changes nothing except your own understanding.
"""

import jax, jax.numpy as jnp
import numpy as np

NUM_ROW = 13
NUM_COL = 15

REORDERED_INDICES = np.array([[0, 0], [0, 7], [1, 0], [1, 1], [1, 2], [1, 3], [1, 4], [1, 5], [1, 6], [1, 7], [2, 0], [2, 1], [2, 2], [2, 3], [2, 4], [2, 5], [2, 6], [2, 7], [3, 0], [3, 1], [7, 0], [7, 1], [7, 2], [7, 3], [7, 4], [7, 5], [7, 6], [7, 7], [7, 8], [7, 9], [3, 2], [3, 3], [3, 4], [3, 5], [3, 6], [3, 7], [4, 0], [4, 1], [8, 0], [8, 1], [8, 2], [8, 3], [8, 4], [8, 5], [8, 6], [8, 7], [8, 8], [8, 9], [4, 2], [4, 3], [4, 4], [4, 5], [4, 6], [4, 7], [5, 0], [5, 1], [11, 0], [11, 1], [11, 2], [11, 3], [11, 4], [11, 5], [11, 6], [11, 7], [11, 8], [11, 9], [11, 10], [11, 11], [11, 12], [11, 13], [11, 14], [9, 1], [9, 2], [9, 3], [9, 4], [9, 5], [9, 6], [9, 7], [9, 8], [9, 9], [5, 2], [5, 3], [5, 4], [5, 5], [5, 6], [5, 7], [6, 0], [6, 1], [12, 0], [12, 1], [12, 2], [12, 3], [12, 4], [12, 5], [12, 6], [12, 7], [12, 8], [12, 9], [12, 10], [12, 11], [12, 12], [12, 13], [12, 14], [10, 1], [10, 2], [10, 3], [10, 4], [10, 5], [10, 6], [10, 7], [10, 8], [10, 9], [6, 2], [6, 3], [6, 4], [6, 5], [6, 6], [6, 7]], dtype=np.int32)


def setup_inputs(seed: int = 0) -> dict:
    key = jax.random.key(seed)
    atom_types = jax.random.randint(key, (819200,), 0, 118, dtype=jnp.int32)
    reordered_indices = jnp.asarray(REORDERED_INDICES)
    return {"atom_types": atom_types, "reordered_indices": reordered_indices}


def reference(atom_types, reordered_indices):
    # encode_types: gather (row, col) indices for each atom type, then one-hot encode
    encoded = jnp.take(reordered_indices, atom_types - 1, axis=0, mode='wrap')  # [N, 2]
    row_oh = (encoded[:, 0:1] == jnp.arange(NUM_ROW, dtype=encoded.dtype)[None, :]).astype(jnp.int32)  # [N, 13]
    col_oh = (encoded[:, 1:2] == jnp.arange(NUM_COL, dtype=encoded.dtype)[None, :]).astype(jnp.int32)  # [N, 15]
    encoded_types = jnp.concatenate([row_oh, col_oh], axis=1)  # [N, 28]
    return encoded_types

if __name__ == "__main__":
    import jax
    _d = setup_inputs()
    print(jax.jit(kernel)(*tuple(_d.values())))

</pallas_src>

<mosaic_0001>
#map = affine_map<(d0, d1) -> (0)>
#map1 = affine_map<(d0, d1) -> (0, 0, 0, 0)>
module attributes {stable_mosaic.version = 14 : i64} {
  func.func @_sc_body(%arg0: i32, %arg1: i32, %arg2: memref<819200xi32, #tpu.memory_space<hbm>>, %arg3: memref<128xi32, #tpu.memory_space<hbm>>, %arg4: memref<4x6400x8x128xi32, #tpu.memory_space<hbm>>, %arg5: memref<25600xi32, #tpu.memory_space<vmem>>, %arg6: memref<128xi32, #tpu.memory_space<vmem>>, %arg7: memref<2x4x10x8x128xi32, #tpu.memory_space<vmem>>, %arg8: memref<!tpu.dma_semaphore, #tpu.memory_space<semaphore_mem>>, %arg9: memref<!tpu.dma_semaphore, #tpu.memory_space<semaphore_mem>>) attributes {dimension_semantics = [#tpu.dimension_semantics<core_parallel>, #tpu.dimension_semantics<subcore_parallel>], iteration_bounds = array<i64: 2, 16>, scalar_prefetch = 0 : i64, scratch_operands = 5 : i64, tpu.core_type = #tpu.core_type<sc_vector_subcore>, window_params = [{transform_indices = #map}, {transform_indices = #map}, {transform_indices = #map1}]} {
    %mul3A = arith.constant 2 : i32
    %mul3A_0 = arith.muli %arg1, %mul3A : i32
    %add3A = arith.addi %mul3A_0, %arg0 : i32
    %mul3A_1 = arith.constant 25600 : i32
    %mul3A_2 = arith.muli %add3A, %mul3A_1 : i32
    %mul3A_3 = arith.constant 200 : i32
    %mul3A_4 = arith.muli %add3A, %mul3A_3 : i32
    "tpu.region"() ({
      %run_scoped3A = tpu.sem_alloc : memref<!tpu.dma_semaphore, #tpu.memory_space<semaphore_mem>>
      tpu.enqueue_dma source(%arg3 : memref<128xi32, #tpu.memory_space<hbm>>) target(%arg6 : memref<128xi32, #tpu.memory_space<vmem>>) target_semaphore(%run_scoped3A : memref<!tpu.dma_semaphore, #tpu.memory_space<semaphore_mem>>)
      tpu.wait_dma2 semaphore(%run_scoped3A : memref<!tpu.dma_semaphore, #tpu.memory_space<semaphore_mem>>) src(%arg3 : memref<128xi32, #tpu.memory_space<hbm>>) dst(%arg6 : memref<128xi32, #tpu.memory_space<vmem>>)
      tpu.yield
    }) : () -> ()
    "tpu.region"() ({
      %run_scoped3A = tpu.sem_alloc : memref<!tpu.dma_semaphore, #tpu.memory_space<semaphore_mem>>
      %dma_start3A = tpu.memref_slice %arg2[%mul3A_2] : memref<819200xi32, #tpu.memory_space<hbm>> -> memref<25600xi32, #tpu.memory_space<hbm>>
      %dma_start3A_94 = tpu.memref_slice %arg2[%mul3A_2] : memref<819200xi32, #tpu.memory_space<hbm>> -> memref<25600xi32, #tpu.memory_space<hbm>>
      tpu.enqueue_dma source(%dma_start3A_94 : memref<25600xi32, #tpu.memory_space<hbm>>) target(%arg5 : memref<25600xi32, #tpu.memory_space<vmem>>) target_semaphore(%run_scoped3A : memref<!tpu.dma_semaphore, #tpu.memory_space<semaphore_mem>>)
      %dma_wait3A_95 = tpu.memref_slice %arg2[%mul3A_2] : memref<819200xi32, #tpu.memory_space<hbm>> -> memref<25600xi32, #tpu.memory_space<hbm>>
      %dma_wait3A_96 = tpu.memref_slice %arg2[%mul3A_2] : memref<819200xi32, #tpu.memory_space<hbm>> -> memref<25600xi32, #tpu.memory_space<hbm>>
      tpu.wait_dma2 semaphore(%run_scoped3A : memref<!tpu.dma_semaphore, #tpu.memory_space<semaphore_mem>>) src(%dma_wait3A_96 : memref<25600xi32, #tpu.memory_space<hbm>>) dst(%arg5 : memref<25600xi32, #tpu.memory_space<vmem>>)
      tpu.yield
    }) : () -> ()
    %scan3A = arith.constant 0 : i32
    %scan3A_5 = arith.constant 0 : i32
    %scan3A_6 = arith.constant 10 : i32
    %scan3A_7 = arith.addi %scan3A_5, %scan3A_6 : i32
    %scan3A_8 = arith.constant 1 : i32
    %scan3A_9 = scf.for %scan3A_94 = %scan3A_5 to %scan3A_7 step %scan3A_8 iter_args(%scan3A_95 = %scan3A) -> (i32)  : i32 {
      %mul3A_96 = arith.constant 2 : i32
      %mul3A_97 = arith.muli %scan3A_94, %mul3A_96 : i32
      %add3A_98 = arith.constant 0 : i32
      %add3A_99 = arith.addi %mul3A_97, %add3A_98 : i32
      %gt3A = arith.constant 0 : i32
      %gt3A_100 = arith.cmpi sgt, %scan3A_94, %gt3A : i32
      %convert_element_type3A = arith.extui %gt3A_100 : i1 to i32
      %cond3A = arith.constant 0 : i32
      %cond3A_101 = arith.cmpi ne, %convert_element_type3A, %cond3A : i32
      scf.if %cond3A_101 {
        %dma_wait3A_207 = arith.constant 0 : i32
        %dma_wait3A_208 = arith.constant 0 : i32
        %dma_wait3A_209 = arith.constant 0 : i32
        %dma_wait3A_210 = arith.constant 0 : i32
        %dma_wait3A_211 = arith.constant 0 : i32
        %dma_wait3A_212 = tpu.memref_slice %arg7[%dma_wait3A_207, %dma_wait3A_208, %dma_wait3A_209, %dma_wait3A_210, %dma_wait3A_211] : memref<2x4x10x8x128xi32, #tpu.memory_space<vmem>> -> memref<1x3x10x8x128xi32, #tpu.memory_space<vmem>>
        %dma_wait3A_213 = tpu.memref_squeeze %dma_wait3A_212 : memref<1x3x10x8x128xi32, #tpu.memory_space<vmem>> -> memref<3x10x8x128xi32, #tpu.memory_space<vmem>>
        %dma_wait3A_214 = arith.constant 0 : i32
        %dma_wait3A_215 = arith.constant 0 : i32
        %dma_wait3A_216 = arith.constant 0 : i32
        %dma_wait3A_217 = tpu.memref_slice %arg4[%dma_wait3A_214, %mul3A_4, %dma_wait3A_215, %dma_wait3A_216] : memref<4x6400x8x128xi32, #tpu.memory_space<hbm>> -> memref<3x10x8x128xi32, #tpu.memory_space<hbm>>
        %dma_wait3A_218 = arith.constant 0 : i32
        %dma_wait3A_219 = arith.constant 0 : i32
        %dma_wait3A_220 = arith.constant 0 : i32
        %dma_wait3A_221 = arith.constant 0 : i32
        %dma_wait3A_222 = tpu.memref_slice %arg7[%dma_wait3A_207, %dma_wait3A_218, %dma_wait3A_219, %dma_wait3A_220, %dma_wait3A_221] : memref<2x4x10x8x128xi32, #tpu.memory_space<vmem>> -> memref<1x3x10x8x128xi32, #tpu.memory_space<vmem>>
        %dma_wait3A_223 = tpu.memref_squeeze %dma_wait3A_222 : memref<1x3x10x8x128xi32, #tpu.memory_space<vmem>> -> memref<3x10x8x128xi32, #tpu.memory_space<vmem>>
        %dma_wait3A_224 = arith.constant 0 : i32
        %dma_wait3A_225 = arith.constant 0 : i32
        %dma_wait3A_226 = arith.constant 0 : i32
        %dma_wait3A_227 = tpu.memref_slice %arg4[%dma_wait3A_224, %mul3A_4, %dma_wait3A_225, %dma_wait3A_226] : memref<4x6400x8x128xi32, #tpu.memory_space<hbm>> -> memref<3x10x8x128xi32, #tpu.memory_space<hbm>>
        tpu.wait_dma2 semaphore(%arg8 : memref<!tpu.dma_semaphore, #tpu.memory_space<semaphore_mem>>) src(%dma_wait3A_227 : memref<3x10x8x128xi32, #tpu.memory_space<hbm>>) dst(%dma_wait3A_223 : memref<3x10x8x128xi32, #tpu.memory_space<vmem>>)
        %dma_wait3A_228 = arith.constant 3 : i32
        %dma_wait3A_229 = arith.constant 0 : i32
        %dma_wait3A_230 = arith.constant 3 : i32
        %dma_wait3A_231 = arith.constant 0 : i32
        %dma_wait3A_232 = arith.constant 0 : i32
        %dma_wait3A_233 = arith.constant 0 : i32
        %dma_wait3A_234 = tpu.memref_slice %arg7[%dma_wait3A_229, %dma_wait3A_230, %dma_wait3A_231, %dma_wait3A_232, %dma_wait3A_233] : memref<2x4x10x8x128xi32, #tpu.memory_space<vmem>> -> memref<1x1x10x4x128xi32, #tpu.memory_space<vmem>>
        %dma_wait3A_235 = tpu.memref_squeeze %dma_wait3A_234 : memref<1x1x10x4x128xi32, #tpu.memory_space<vmem>> -> memref<10x4x128xi32, #tpu.memory_space<vmem>>
        %dma_wait3A_236 = arith.constant 0 : i32
        %dma_wait3A_237 = arith.constant 0 : i32
        %dma_wait3A_238 = tpu.memref_slice %arg4[%dma_wait3A_228, %mul3A_4, %dma_wait3A_236, %dma_wait3A_237] : memref<4x6400x8x128xi32, #tpu.memory_space<hbm>> -> memref<1x10x4x128xi32, #tpu.memory_space<hbm>>
        %dma_wait3A_239 = tpu.memref_squeeze %dma_wait3A_238 : memref<1x10x4x128xi32, #tpu.memory_space<hbm>> -> memref<10x4x128xi32, #tpu.memory_space<hbm>>
        %dma_wait3A_240 = arith.constant 0 : i32
        %dma_wait3A_241 = arith.constant 0 : i32
        %dma_wait3A_242 = arith.constant 0 : i32
        %dma_wait3A_243 = tpu.memref_slice %arg7[%dma_wait3A_229, %dma_wait3A_230, %dma_wait3A_240, %dma_wait3A_241, %dma_wait3A_242] : memref<2x4x10x8x128xi32, #tpu.memory_space<vmem>> -> memref<1x1x10x4x128xi32, #tpu.memory_space<vmem>>
        %dma_wait3A_244 = tpu.memref_squeeze %dma_wait3A_243 : memref<1x1x10x4x128xi32, #tpu.memory_space<vmem>> -> memref<10x4x128xi32, #tpu.memory_space<vmem>>
        %dma_wait3A_245 = arith.constant 0 : i32
        %dma_wait3A_246 = arith.constant 0 : i32
        %dma_wait3A_247 = tpu.memref_slice %arg4[%dma_wait3A_228, %mul3A_4, %dma_wait3A_245, %dma_wait3A_246] : memref<4x6400x8x128xi32, #tpu.memory_space<hbm>> -> memref<1x10x4x128xi32, #tpu.memory_space<hbm>>
        %dma_wait3A_248 = tpu.memref_squeeze %dma_wait3A_247 : memref<1x10x4x128xi32, #tpu.memory_space<hbm>> -> memref<10x4x128xi32, #tpu.memory_space<hbm>>
        tpu.wait_dma2 semaphore(%arg8 : memref<!tpu.dma_semaphore, #tpu.memory_space<semaphore_mem>>) src(%dma_wait3A_248 : memref<10x4x128xi32, #tpu.memory_space<hbm>>) dst(%dma_wait3A_244 : memref<10x4x128xi32, #tpu.memory_space<vmem>>)
      } else {
      }
      %parallel_loop3A = arith.constant 0 : i32
      %parallel_loop3A_102 = arith.constant 80 : i32
      %parallel_loop3A_103 = arith.constant 1 : i32
      scf.for %parallel_loop3A_207 = %parallel_loop3A to %parallel_loop3A_102 step %parallel_loop3A_103  : i32 {
        %parallel_loop3A_208 = arith.constant 1280 : i32
        %parallel_loop3A_209 = arith.muli %add3A_99, %parallel_loop3A_208 : i32
        %parallel_loop3A_210 = arith.constant 16 : i32
        %parallel_loop3A_211 = arith.muli %parallel_loop3A_207, %parallel_loop3A_210 : i32
        %parallel_loop3A_212 = arith.addi %parallel_loop3A_209, %parallel_loop3A_211 : i32
        %parallel_loop3A_213 = tpu.assume_multiple %parallel_loop3A_212, 16 : i32
        %parallel_loop3A_214 = arith.index_cast %parallel_loop3A_213 : i32 to index
        %parallel_loop3A_215 = tpu.vector_load %arg5[%parallel_loop3A_214] {strides = array<i32>} : memref<25600xi32, #tpu.memory_space<vmem>>, vector<16xi32>,
        %parallel_loop3A_216 = tpu.vector_load_idx %arg6[%parallel_loop3A_215] : memref<128xi32, #tpu.memory_space<vmem>>[vector<16xi32>], vector<16xi32>,
        %parallel_loop3A_217 = arith.constant 8 : i32
        %parallel_loop3A_218 = arith.divsi %parallel_loop3A_207, %parallel_loop3A_217 : i32
        %parallel_loop3A_219 = arith.constant 0 : i32
        %parallel_loop3A_220 = arith.cmpi sgt, %parallel_loop3A_207, %parallel_loop3A_219 : i32
        %parallel_loop3A_221 = arith.extui %parallel_loop3A_220 : i1 to i32
        %parallel_loop3A_222 = arith.constant 0 : i32
        %parallel_loop3A_223 = arith.cmpi slt, %parallel_loop3A_207, %parallel_loop3A_222 : i32
        %parallel_loop3A_224 = arith.extui %parallel_loop3A_223 : i1 to i32
        %parallel_loop3A_225 = arith.subi %parallel_loop3A_221, %parallel_loop3A_224 : i32
        %parallel_loop3A_226 = arith.constant 0 : i32
        %parallel_loop3A_227 = arith.cmpi sgt, %parallel_loop3A_217, %parallel_loop3A_226 : i32
        %parallel_loop3A_228 = arith.extui %parallel_loop3A_227 : i1 to i32
        %parallel_loop3A_229 = arith.constant 0 : i32
        %parallel_loop3A_230 = arith.cmpi slt, %parallel_loop3A_217, %parallel_loop3A_229 : i32
        %parallel_loop3A_231 = arith.extui %parallel_loop3A_230 : i1 to i32
        %parallel_loop3A_232 = arith.subi %parallel_loop3A_228, %parallel_loop3A_231 : i32
        %parallel_loop3A_233 = arith.cmpi ne, %parallel_loop3A_225, %parallel_loop3A_232 : i32
        %parallel_loop3A_234 = arith.remsi %parallel_loop3A_207, %parallel_loop3A_217 : i32
        %parallel_loop3A_235 = arith.constant 0 : i32
        %parallel_loop3A_236 = arith.cmpi ne, %parallel_loop3A_234, %parallel_loop3A_235 : i32
        %parallel_loop3A_237 = arith.andi %parallel_loop3A_233, %parallel_loop3A_236 : i1
        %parallel_loop3A_238 = arith.constant 1 : i32
        %parallel_loop3A_239 = arith.subi %parallel_loop3A_218, %parallel_loop3A_238 : i32
        %parallel_loop3A_240 = arith.select %parallel_loop3A_237, %parallel_loop3A_239, %parallel_loop3A_218 : i32
        %parallel_loop3A_241 = arith.constant 8 : i32
        %parallel_loop3A_242 = arith.constant 0 : i32
        %parallel_loop3A_243 = arith.cmpi eq, %parallel_loop3A_241, %parallel_loop3A_242 : i32
        %parallel_loop3A_244 = arith.constant 1 : i32
        %parallel_loop3A_245 = arith.select %parallel_loop3A_243, %parallel_loop3A_244, %parallel_loop3A_241 : i32
        %parallel_loop3A_246 = arith.remsi %parallel_loop3A_207, %parallel_loop3A_245 : i32
        %parallel_loop3A_247 = arith.constant 0 : i32
        %parallel_loop3A_248 = arith.cmpi ne, %parallel_loop3A_246, %parallel_loop3A_247 : i32
        %parallel_loop3A_249 = arith.constant 0 : i32
        %parallel_loop3A_250 = arith.cmpi slt, %parallel_loop3A_246, %parallel_loop3A_249 : i32
        %parallel_loop3A_251 = arith.constant 0 : i32
        %parallel_loop3A_252 = arith.cmpi slt, %parallel_loop3A_245, %parallel_loop3A_251 : i32
        %parallel_loop3A_253 = arith.xori %parallel_loop3A_250, %parallel_loop3A_252 : i1
        %parallel_loop3A_254 = arith.andi %parallel_loop3A_253, %parallel_loop3A_248 : i1
        %parallel_loop3A_255 = arith.addi %parallel_loop3A_246, %parallel_loop3A_245 : i32
        %parallel_loop3A_256 = arith.select %parallel_loop3A_254, %parallel_loop3A_255, %parallel_loop3A_246 : i32
        %parallel_loop3A_257 = arith.constant 16 : i32
        %parallel_loop3A_258 = arith.muli %parallel_loop3A_256, %parallel_loop3A_257 : i32
        %parallel_loop3A_259 = tpu.assume_multiple %parallel_loop3A_258, 16 : i32
        %parallel_loop3A_260 = arith.constant 0 : i32
        %parallel_loop3A_261 = vector.broadcast %parallel_loop3A_260 : i32 to vector<16xi32>
        %parallel_loop3A_262 = arith.shrui %parallel_loop3A_216, %parallel_loop3A_261 : vector<16xi32>
        %parallel_loop3A_263 = arith.constant 1 : i32
        %parallel_loop3A_264 = vector.broadcast %parallel_loop3A_263 : i32 to vector<16xi32>
        %parallel_loop3A_265 = arith.andi %parallel_loop3A_262, %parallel_loop3A_264 : vector<16xi32>
        %parallel_loop3A_266 = arith.constant 0 : i32
        %parallel_loop3A_267 = arith.constant 0 : i32
        %parallel_loop3A_268 = arith.constant 0 : i32
        %parallel_loop3A_269 = arith.index_cast %parallel_loop3A_266 : i32 to index
        %parallel_loop3A_270 = arith.index_cast %parallel_loop3A_267 : i32 to index
        %parallel_loop3A_271 = arith.index_cast %parallel_loop3A_240 : i32 to index
        %parallel_loop3A_272 = arith.index_cast %parallel_loop3A_268 : i32 to index
        %parallel_loop3A_273 = arith.index_cast %parallel_loop3A_259 : i32 to index
        %parallel_loop3A_274 = tpu.vector_load %arg7[%parallel_loop3A_269, %parallel_loop3A_270, %parallel_loop3A_271, %parallel_loop3A_272, %parallel_loop3A_273] {strides = array<i32>} : memref<2x4x10x8x128xi32, #tpu.memory_space<vmem>>, vector<16xi32>,
        tpu.vector_store %arg7[%parallel_loop3A_269, %parallel_loop3A_270, %parallel_loop3A_271, %parallel_loop3A_272, %parallel_loop3A_273], %parallel_loop3A_265 {strides = array<i32>} : memref<2x4x10x8x128xi32, #tpu.memory_space<vmem>>, vector<16xi32>,
        %parallel_loop3A_275 = arith.constant 1 : i32
        %parallel_loop3A_276 = vector.broadcast %parallel_loop3A_275 : i32 to vector<16xi32>
        %parallel_loop3A_277 = arith.shrui %parallel_loop3A_216, %parallel_loop3A_276 : vector<16xi32>
        %parallel_loop3A_278 = arith.constant 1 : i32
        %parallel_loop3A_279 = vector.broadcast %parallel_loop3A_278 : i32 to vector<16xi32>
        %parallel_loop3A_280 = arith.andi %parallel_loop3A_277, %parallel_loop3A_279 : vector<16xi32>
        %parallel_loop3A_281 = arith.constant 0 : i32
        %parallel_loop3A_282 = arith.constant 0 : i32
        %parallel_loop3A_283 = arith.constant 1 : i32
        %parallel_loop3A_284 = arith.index_cast %parallel_loop3A_281 : i32 to index
        %parallel_loop3A_285 = arith.index_cast %parallel_loop3A_282 : i32 to index
        %parallel_loop3A_286 = arith.index_cast %parallel_loop3A_240 : i32 to index
        %parallel_loop3A_287 = arith.index_cast %parallel_loop3A_283 : i32 to index
        %parallel_loop3A_288 = arith.index_cast %parallel_loop3A_259 : i32 to index
        %parallel_loop3A_289 = tpu.vector_load %arg7[%parallel_loop3A_284, %parallel_loop3A_285, %parallel_loop3A_286, %parallel_loop3A_287, %parallel_loop3A_288] {strides = array<i32>} : memref<2x4x10x8x128xi32, #tpu.memory_space<vmem>>, vector<16xi32>,
        tpu.vector_store %arg7[%parallel_loop3A_284, %parallel_loop3A_285, %parallel_loop3A_286, %parallel_loop3A_287, %parallel_loop3A_288], %parallel_loop3A_280 {strides = array<i32>} : memref<2x4x10x8x128xi32, #tpu.memory_space<vmem>>, vector<16xi32>,
        %parallel_loop3A_290 = arith.constant 2 : i32
        %parallel_loop3A_291 = vector.broadcast %parallel_loop3A_290 : i32 to vector<16xi32>
        %parallel_loop3A_292 = arith.shrui %parallel_loop3A_216, %parallel_loop3A_291 : vector<16xi32>
        %parallel_loop3A_293 = arith.constant 1 : i32
        %parallel_loop3A_294 = vector.broadcast %parallel_loop3A_293 : i32 to vector<16xi32>
        %parallel_loop3A_295 = arith.andi %parallel_loop3A_292, %parallel_loop3A_294 : vector<16xi32>
        %parallel_loop3A_296 = arith.constant 0 : i32
        %parallel_loop3A_297 = arith.constant 0 : i32
        %parallel_loop3A_298 = arith.constant 2 : i32
        %parallel_loop3A_299 = arith.index_cast %parallel_loop3A_296 : i32 to index
        %parallel_loop3A_300 = arith.index_cast %parallel_loop3A_297 : i32 to index
        %parallel_loop3A_301 = arith.index_cast %parallel_loop3A_240 : i32 to index
        %parallel_loop3A_302 = arith.index_cast %parallel_loop3A_298 : i32 to index
        %parallel_loop3A_303 = arith.index_cast %parallel_loop3A_259 : i32 to index
        %parallel_loop3A_304 = tpu.vector_load %arg7[%parallel_loop3A_299, %parallel_loop3A_300, %parallel_loop3A_301, %parallel_loop3A_302, %parallel_loop3A_303] {strides = array<i32>} : memref<2x4x10x8x128xi32, #tpu.memory_space<vmem>>, vector<16xi32>,
        tpu.vector_store %arg7[%parallel_loop3A_299, %parallel_loop3A_300, %parallel_loop3A_301, %parallel_loop3A_302, %parallel_loop3A_303], %parallel_loop3A_295 {strides = array<i32>} : memref<2x4x10x8x128xi32, #tpu.memory_space<vmem>>, vector<16xi32>,
        %parallel_loop3A_305 = arith.constant 3 : i32
        %parallel_loop3A_306 = vector.broadcast %parallel_loop3A_305 : i32 to vector<16xi32>
        %parallel_loop3A_307 = arith.shrui %parallel_loop3A_216, %parallel_loop3A_306 : vector<16xi32>
        %parallel_loop3A_308 = arith.constant 1 : i32
        %parallel_loop3A_309 = vector.broadcast %parallel_loop3A_308 : i32 to vector<16xi32>
        %parallel_loop3A_310 = arith.andi %parallel_loop3A_307, %parallel_loop3A_309 : vector<16xi32>
        %parallel_loop3A_311 = arith.constant 0 : i32
        %parallel_loop3A_312 = arith.constant 0 : i32
        %parallel_loop3A_313 = arith.constant 3 : i32
        %parallel_loop3A_314 = arith.index_cast %parallel_loop3A_311 : i32 to index
        %parallel_loop3A_315 = arith.index_cast %parallel_loop3A_312 : i32 to index
        %parallel_loop3A_316 = arith.index_cast %parallel_loop3A_240 : i32 to index
        %parallel_loop3A_317 = arith.index_cast %parallel_loop3A_313 : i32 to index
        %parallel_loop3A_318 = arith.index_cast %parallel_loop3A_259 : i32 to index
        %parallel_loop3A_319 = tpu.vector_load %arg7[%parallel_loop3A_314, %parallel_loop3A_315, %parallel_loop3A_316, %parallel_loop3A_317, %parallel_loop3A_318] {strides = array<i32>} : memref<2x4x10x8x128xi32, #tpu.memory_space<vmem>>, vector<16xi32>,
        tpu.vector_store %arg7[%parallel_loop3A_314, %parallel_loop3A_315, %parallel_loop3A_316, %parallel_loop3A_317, %parallel_loop3A_318], %parallel_loop3A_310 {strides = array<i32>} : memref<2x4x10x8x128xi32, #tpu.memory_space<vmem>>, vector<16xi32>,
        %parallel_loop3A_320 = arith.constant 4 : i32
        %parallel_loop3A_321 = vector.broadcast %parallel_loop3A_320 : i32 to vector<16xi32>
        %parallel_loop3A_322 = arith.shrui %parallel_loop3A_216, %parallel_loop3A_321 : vector<16xi32>
        %parallel_loop3A_323 = arith.constant 1 : i32
        %parallel_loop3A_324 = vector.broadcast %parallel_loop3A_323 : i32 to vector<16xi32>
        %parallel_loop3A_325 = arith.andi %parallel_loop3A_322, %parallel_loop3A_324 : vector<16xi32>
        %parallel_loop3A_326 = arith.constant 0 : i32
        %parallel_loop3A_327 = arith.constant 0 : i32
        %parallel_loop3A_328 = arith.constant 4 : i32
        %parallel_loop3A_329 = arith.index_cast %parallel_loop3A_326 : i32 to index
        %parallel_loop3A_330 = arith.index_cast %parallel_loop3A_327 : i32 to index
        %parallel_loop3A_331 = arith.index_cast %parallel_loop3A_240 : i32 to index
        %parallel_loop3A_332 = arith.index_cast %parallel_loop3A_328 : i32 to index
        %parallel_loop3A_333 = arith.index_cast %parallel_loop3A_259 : i32 to index
        %parallel_loop3A_334 = tpu.vector_load %arg7[%parallel_loop3A_329, %parallel_loop3A_330, %parallel_loop3A_331, %parallel_loop3A_332, %parallel_loop3A_333] {strides = array<i32>} : memref<2x4x10x8x128xi32, #tpu.memory_space<vmem>>, vector<16xi32>,
        tpu.vector_store %arg7[%parallel_loop3A_329, %parallel_loop3A_330, %parallel_loop3A_331, %parallel_loop3A_332, %parallel_loop3A_333], %parallel_loop3A_325 {strides = array<i32>} : memref<2x4x10x8x128xi32, #tpu.memory_space<vmem>>, vector<16xi32>,
        %parallel_loop3A_335 = arith.constant 5 : i32
        %parallel_loop3A_336 = vector.broadcast %parallel_loop3A_335 : i32 to vector<16xi32>
        %parallel_loop3A_337 = arith.shrui %parallel_loop3A_216, %parallel_loop3A_336 : vector<16xi32>
        %parallel_loop3A_338 = arith.constant 1 : i32
        %parallel_loop3A_339 = vector.broadcast %parallel_loop3A_338 : i32 to vector<16xi32>
        %parallel_loop3A_340 = arith.andi %parallel_loop3A_337, %parallel_loop3A_339 : vector<16xi32>
        %parallel_loop3A_341 = arith.constant 0 : i32
        %parallel_loop3A_342 = arith.constant 0 : i32
        %parallel_loop3A_343 = arith.constant 5 : i32
        %parallel_loop3A_344 = arith.index_cast %parallel_loop3A_341 : i32 to index
        %parallel_loop3A_345 = arith.index_cast %parallel_loop3A_342 : i32 to index
        %parallel_loop3A_346 = arith.index_cast %parallel_loop3A_240 : i32 to index
        %parallel_loop3A_347 = arith.index_cast %parallel_loop3A_343 : i32 to index
        %parallel_loop3A_348 = arith.index_cast %parallel_loop3A_259 : i32 to index
        %parallel_loop3A_349 = tpu.vector_load %arg7[%parallel_loop3A_344, %parallel_loop3A_345, %parallel_loop3A_346, %parallel_loop3A_347, %parallel_loop3A_348] {strides = array<i32>} : memref<2x4x10x8x128xi32, #tpu.memory_space<vmem>>, vector<16xi32>,
        tpu.vector_store %arg7[%parallel_loop3A_344, %parallel_loop3A_345, %parallel_loop3A_346, %parallel_loop3A_347, %parallel_loop3A_348], %parallel_loop3A_340 {strides = array<i32>} : memref<2x4x10x8x128xi32, #tpu.memory_space<vmem>>, vector<16xi32>,
        %parallel_loop3A_350 = arith.constant 6 : i32
        %parallel_loop3A_351 = vector.broadcast %parallel_loop3A_350 : i32 to vector<16xi32>
        %parallel_loop3A_352 = arith.shrui %parallel_loop3A_216, %parallel_loop3A_351 : vector<16xi32>
        %parallel_loop3A_353 = arith.constant 1 : i32
        %parallel_loop3A_354 = vector.broadcast %parallel_loop3A_353 : i32 to vector<16xi32>
        %parallel_loop3A_355 = arith.andi %parallel_loop3A_352, %parallel_loop3A_354 : vector<16xi32>
        %parallel_loop3A_356 = arith.constant 0 : i32
        %parallel_loop3A_357 = arith.constant 0 : i32
        %parallel_loop3A_358 = arith.constant 6 : i32
        %parallel_loop3A_359 = arith.index_cast %parallel_loop3A_356 : i32 to index
        %parallel_loop3A_360 = arith.index_cast %parallel_loop3A_357 : i32 to index
        %parallel_loop3A_361 = arith.index_cast %parallel_loop3A_240 : i32 to index
        %parallel_loop3A_362 = arith.index_cast %parallel_loop3A_358 : i32 to index
        %parallel_loop3A_363 = arith.index_cast %parallel_loop3A_259 : i32 to index
        %parallel_loop3A_364 = tpu.vector_load %arg7[%parallel_loop3A_359, %parallel_loop3A_360, %parallel_loop3A_361, %parallel_loop3A_362, %parallel_loop3A_363] {strides = array<i32>} : memref<2x4x10x8x128xi32, #tpu.memory_space<vmem>>, vector<16xi32>,
        tpu.vector_store %arg7[%parallel_loop3A_359, %parallel_loop3A_360, %parallel_loop3A_361, %parallel_loop3A_362, %parallel_loop3A_363], %parallel_loop3A_355 {strides = array<i32>} : memref<2x4x10x8x128xi32, #tpu.memory_space<vmem>>, vector<16xi32>,
        %parallel_loop3A_365 = arith.constant 7 : i32
        %parallel_loop3A_366 = vector.broadcast %parallel_loop3A_365 : i32 to vector<16xi32>
        %parallel_loop3A_367 = arith.shrui %parallel_loop3A_216, %parallel_loop3A_366 : vector<16xi32>
        %parallel_loop3A_368 = arith.constant 1 : i32
        %parallel_loop3A_369 = vector.broadcast %parallel_loop3A_368 : i32 to vector<16xi32>
        %parallel_loop3A_370 = arith.andi %parallel_loop3A_367, %parallel_loop3A_369 : vector<16xi32>
        %parallel_loop3A_371 = arith.constant 0 : i32
        %parallel_loop3A_372 = arith.constant 0 : i32
        %parallel_loop3A_373 = arith.constant 7 : i32
        %parallel_loop3A_374 = arith.index_cast %parallel_loop3A_371 : i32 to index
        %parallel_loop3A_375 = arith.index_cast %parallel_loop3A_372 : i32 to index
        %parallel_loop3A_376 = arith.index_cast %parallel_loop3A_240 : i32 to index
        %parallel_loop3A_377 = arith.index_cast %parallel_loop3A_373 : i32 to index
        %parallel_loop3A_378 = arith.index_cast %parallel_loop3A_259 : i32 to index
        %parallel_loop3A_379 = tpu.vector_load %arg7[%parallel_loop3A_374, %parallel_loop3A_375, %parallel_loop3A_376, %parallel_loop3A_377, %parallel_loop3A_378] {strides = array<i32>} : memref<2x4x10x8x128xi32, #tpu.memory_space<vmem>>, vector<16xi32>,
        tpu.vector_store %arg7[%parallel_loop3A_374, %parallel_loop3A_375, %parallel_loop3A_376, %parallel_loop3A_377, %parallel_loop3A_378], %parallel_loop3A_370 {strides = array<i32>} : memref<2x4x10x8x128xi32, #tpu.memory_space<vmem>>, vector<16xi32>,
        %parallel_loop3A_380 = arith.constant 8 : i32
        %parallel_loop3A_381 = vector.broadcast %parallel_loop3A_380 : i32 to vector<16xi32>
        %parallel_loop3A_382 = arith.shrui %parallel_loop3A_216, %parallel_loop3A_381 : vector<16xi32>
        %parallel_loop3A_383 = arith.constant 1 : i32
        %parallel_loop3A_384 = vector.broadcast %parallel_loop3A_383 : i32 to vector<16xi32>
        %parallel_loop3A_385 = arith.andi %parallel_loop3A_382, %parallel_loop3A_384 : vector<16xi32>
        %parallel_loop3A_386 = arith.constant 0 : i32
        %parallel_loop3A_387 = arith.constant 1 : i32
        %parallel_loop3A_388 = arith.constant 0 : i32
        %parallel_loop3A_389 = arith.index_cast %parallel_loop3A_386 : i32 to index
        %parallel_loop3A_390 = arith.index_cast %parallel_loop3A_387 : i32 to index
        %parallel_loop3A_391 = arith.index_cast %parallel_loop3A_240 : i32 to index
        %parallel_loop3A_392 = arith.index_cast %parallel_loop3A_388 : i32 to index
        %parallel_loop3A_393 = arith.index_cast %parallel_loop3A_259 : i32 to index
        %parallel_loop3A_394 = tpu.vector_load %arg7[%parallel_loop3A_389, %parallel_loop3A_390, %parallel_loop3A_391, %parallel_loop3A_392, %parallel_loop3A_393] {strides = array<i32>} : memref<2x4x10x8x128xi32, #tpu.memory_space<vmem>>, vector<16xi32>,
        tpu.vector_store %arg7[%parallel_loop3A_389, %parallel_loop3A_390, %parallel_loop3A_391, %parallel_loop3A_392, %parallel_loop3A_393], %parallel_loop3A_385 {strides = array<i32>} : memref<2x4x10x8x128xi32, #tpu.memory_space<vmem>>, vector<16xi32>,
        %parallel_loop3A_395 = arith.constant 9 : i32
        %parallel_loop3A_396 = vector.broadcast %parallel_loop3A_395 : i32 to vector<16xi32>
        %parallel_loop3A_397 = arith.shrui %parallel_loop3A_216, %parallel_loop3A_396 : vector<16xi32>
        %parallel_loop3A_398 = arith.constant 1 : i32
        %parallel_loop3A_399 = vector.broadcast %parallel_loop3A_398 : i32 to vector<16xi32>
        %parallel_loop3A_400 = arith.andi %parallel_loop3A_397, %parallel_loop3A_399 : vector<16xi32>
        %parallel_loop3A_401 = arith.constant 0 : i32
        %parallel_loop3A_402 = arith.constant 1 : i32
        %parallel_loop3A_403 = arith.constant 1 : i32
        %parallel_loop3A_404 = arith.index_cast %parallel_loop3A_401 : i32 to index
        %parallel_loop3A_405 = arith.index_cast %parallel_loop3A_402 : i32 to index
        %parallel_loop3A_406 = arith.index_cast %parallel_loop3A_240 : i32 to index
        %parallel_loop3A_407 = arith.index_cast %parallel_loop3A_403 : i32 to index
        %parallel_loop3A_408 = arith.index_cast %parallel_loop3A_259 : i32 to index
        %parallel_loop3A_409 = tpu.vector_load %arg7[%parallel_loop3A_404, %parallel_loop3A_405, %parallel_loop3A_406, %parallel_loop3A_407, %parallel_loop3A_408] {strides = array<i32>} : memref<2x4x10x8x128xi32, #tpu.memory_space<vmem>>, vector<16xi32>,
        tpu.vector_store %arg7[%parallel_loop3A_404, %parallel_loop3A_405, %parallel_loop3A_406, %parallel_loop3A_407, %parallel_loop3A_408], %parallel_loop3A_400 {strides = array<i32>} : memref<2x4x10x8x128xi32, #tpu.memory_space<vmem>>, vector<16xi32>,
        %parallel_loop3A_410 = arith.constant 10 : i32
        %parallel_loop3A_411 = vector.broadcast %parallel_loop3A_410 : i32 to vector<16xi32>
        %parallel_loop3A_412 = arith.shrui %parallel_loop3A_216, %parallel_loop3A_411 : vector<16xi32>
        %parallel_loop3A_413 = arith.constant 1 : i32
        %parallel_loop3A_414 = vector.broadcast %parallel_loop3A_413 : i32 to vector<16xi32>
        %parallel_loop3A_415 = arith.andi %parallel_loop3A_412, %parallel_loop3A_414 : vector<16xi32>
        %parallel_loop3A_416 = arith.constant 0 : i32
        %parallel_loop3A_417 = arith.constant 1 : i32
        %parallel_loop3A_418 = arith.constant 2 : i32
        %parallel_loop3A_419 = arith.index_cast %parallel_loop3A_416 : i32 to index
        %parallel_loop3A_420 = arith.index_cast %parallel_loop3A_417 : i32 to index
        %parallel_loop3A_421 = arith.index_cast %parallel_loop3A_240 : i32 to index
        %parallel_loop3A_422 = arith.index_cast %parallel_loop3A_418 : i32 to index
        %parallel_loop3A_423 = arith.index_cast %parallel_loop3A_259 : i32 to index
        %parallel_loop3A_424 = tpu.vector_load %arg7[%parallel_loop3A_419, %parallel_loop3A_420, %parallel_loop3A_421, %parallel_loop3A_422, %parallel_loop3A_423] {strides = array<i32>} : memref<2x4x10x8x128xi32, #tpu.memory_space<vmem>>, vector<16xi32>,
        tpu.vector_store %arg7[%parallel_loop3A_419, %parallel_loop3A_420, %parallel_loop3A_421, %parallel_loop3A_422, %parallel_loop3A_423], %parallel_loop3A_415 {strides = array<i32>} : memref<2x4x10x8x128xi32, #tpu.memory_space<vmem>>, vector<16xi32>,
        %parallel_loop3A_425 = arith.constant 11 : i32
        %parallel_loop3A_426 = vector.broadcast %parallel_loop3A_425 : i32 to vector<16xi32>
        %parallel_loop3A_427 = arith.shrui %parallel_loop3A_216, %parallel_loop3A_426 : vector<16xi32>
        %parallel_loop3A_428 = arith.constant 1 : i32
        %parallel_loop3A_429 = vector.broadcast %parallel_loop3A_428 : i32 to vector<16xi32>
        %parallel_loop3A_430 = arith.andi %parallel_loop3A_427, %parallel_loop3A_429 : vector<16xi32>
        %parallel_loop3A_431 = arith.constant 0 : i32
        %parallel_loop3A_432 = arith.constant 1 : i32
        %parallel_loop3A_433 = arith.constant 3 : i32
        %parallel_loop3A_434 = arith.index_cast %parallel_loop3A_431 : i32 to index
        %parallel_loop3A_435 = arith.index_cast %parallel_loop3A_432 : i32 to index
        %parallel_loop3A_436 = arith.index_cast %parallel_loop3A_240 : i32 to index
        %parallel_loop3A_437 = arith.index_cast %parallel_loop3A_433 : i32 to index
        %parallel_loop3A_438 = arith.index_cast %parallel_loop3A_259 : i32 to index
        %parallel_loop3A_439 = tpu.vector_load %arg7[%parallel_loop3A_434, %parallel_loop3A_435, %parallel_loop3A_436, %parallel_loop3A_437, %parallel_loop3A_438] {strides = array<i32>} : memref<2x4x10x8x128xi32, #tpu.memory_space<vmem>>, vector<16xi32>,
        tpu.vector_store %arg7[%parallel_loop3A_434, %parallel_loop3A_435, %parallel_loop3A_436, %parallel_loop3A_437, %parallel_loop3A_438], %parallel_loop3A_430 {strides = array<i32>} : memref<2x4x10x8x128xi32, #tpu.memory_space<vmem>>, vector<16xi32>,
        %parallel_loop3A_440 = arith.constant 12 : i32
        %parallel_loop3A_441 = vector.broadcast %parallel_loop3A_440 : i32 to vector<16xi32>
        %parallel_loop3A_442 = arith.shrui %parallel_loop3A_216, %parallel_loop3A_441 : vector<16xi32>
        %parallel_loop3A_443 = arith.constant 1 : i32
        %parallel_loop3A_444 = vector.broadcast %parallel_loop3A_443 : i32 to vector<16xi32>
        %parallel_loop3A_445 = arith.andi %parallel_loop3A_442, %parallel_loop3A_444 : vector<16xi32>
        %parallel_loop3A_446 = arith.constant 0 : i32
        %parallel_loop3A_447 = arith.constant 1 : i32
        %parallel_loop3A_448 = arith.constant 4 : i32
        %parallel_loop3A_449 = arith.index_cast %parallel_loop3A_446 : i32 to index
        %parallel_loop3A_450 = arith.index_cast %parallel_loop3A_447 : i32 to index
        %parallel_loop3A_451 = arith.index_cast %parallel_loop3A_240 : i32 to index
        %parallel_loop3A_452 = arith.index_cast %parallel_loop3A_448 : i32 to index
        %parallel_loop3A_453 = arith.index_cast %parallel_loop3A_259 : i32 to index
        %parallel_loop3A_454 = tpu.vector_load %arg7[%parallel_loop3A_449, %parallel_loop3A_450, %parallel_loop3A_451, %parallel_loop3A_452, %parallel_loop3A_453] {strides = array<i32>} : memref<2x4x10x8x128xi32, #tpu.memory_space<vmem>>, vector<16xi32>,
        tpu.vector_store %arg7[%parallel_loop3A_449, %parallel_loop3A_450, %parallel_loop3A_451, %parallel_loop3A_452, %parallel_loop3A_453], %parallel_loop3A_445 {strides = array<i32>} : memref<2x4x10x8x128xi32, #tpu.memory_space<vmem>>, vector<16xi32>,
        %parallel_loop3A_455 = arith.constant 13 : i32
        %parallel_loop3A_456 = vector.broadcast %parallel_loop3A_455 : i32 to vector<16xi32>
        %parallel_loop3A_457 = arith.shrui %parallel_loop3A_216, %parallel_loop3A_456 : vector<16xi32>
        %parallel_loop3A_458 = arith.constant 1 : i32
        %parallel_loop3A_459 = vector.broadcast %parallel_loop3A_458 : i32 to vector<16xi32>
        %parallel_loop3A_460 = arith.andi %parallel_loop3A_457, %parallel_loop3A_459 : vector<16xi32>
        %parallel_loop3A_461 = arith.constant 0 : i32
        %parallel_loop3A_462 = arith.constant 1 : i32
        %parallel_loop3A_463 = arith.constant 5 : i32
        %parallel_loop3A_464 = arith.index_cast %parallel_loop3A_461 : i32 to index
        %parallel_loop3A_465 = arith.index_cast %parallel_loop3A_462 : i32 to index
        %parallel_loop3A_466 = arith.index_cast %parallel_loop3A_240 : i32 to index
        %parallel_loop3A_467 = arith.index_cast %parallel_loop3A_463 : i32 to index
        %parallel_loop3A_468 = arith.index_cast %parallel_loop3A_259 : i32 to index
        %parallel_loop3A_469 = tpu.vector_load %arg7[%parallel_loop3A_464, %parallel_loop3A_465, %parallel_loop3A_466, %parallel_loop3A_467, %parallel_loop3A_468] {strides = array<i32>} : memref<2x4x10x8x128xi32, #tpu.memory_space<vmem>>, vector<16xi32>,
        tpu.vector_store %arg7[%parallel_loop3A_464, %parallel_loop3A_465, %parallel_loop3A_466, %parallel_loop3A_467, %parallel_loop3A_468], %parallel_loop3A_460 {strides = array<i32>} : memref<2x4x10x8x128xi32, #tpu.memory_space<vmem>>, vector<16xi32>,
        %parallel_loop3A_470 = arith.constant 14 : i32
        %parallel_loop3A_471 = vector.broadcast %parallel_loop3A_470 : i32 to vector<16xi32>
        %parallel_loop3A_472 = arith.shrui %parallel_loop3A_216, %parallel_loop3A_471 : vector<16xi32>
        %parallel_loop3A_473 = arith.constant 1 : i32
        %parallel_loop3A_474 = vector.broadcast %parallel_loop3A_473 : i32 to vector<16xi32>
        %parallel_loop3A_475 = arith.andi %parallel_loop3A_472, %parallel_loop3A_474 : vector<16xi32>
        %parallel_loop3A_476 = arith.constant 0 : i32
        %parallel_loop3A_477 = arith.constant 1 : i32
        %parallel_loop3A_478 = arith.constant 6 : i32
        %parallel_loop3A_479 = arith.index_cast %parallel_loop3A_476 : i32 to index
        %parallel_loop3A_480 = arith.index_cast %parallel_loop3A_477 : i32 to index
        %parallel_loop3A_481 = arith.index_cast %parallel_loop3A_240 : i32 to index
        %parallel_loop3A_482 = arith.index_cast %parallel_loop3A_478 : i32 to index
        %parallel_loop3A_483 = arith.index_cast %parallel_loop3A_259 : i32 to index
        %parallel_loop3A_484 = tpu.vector_load %arg7[%parallel_loop3A_479, %parallel_loop3A_480, %parallel_loop3A_481, %parallel_loop3A_482, %parallel_loop3A_483] {strides = array<i32>} : memref<2x4x10x8x128xi32, #tpu.memory_space<vmem>>, vector<16xi32>,
        tpu.vector_store %arg7[%parallel_loop3A_479, %parallel_loop3A_480, %parallel_loop3A_481, %parallel_loop3A_482, %parallel_loop3A_483], %parallel_loop3A_475 {strides = array<i32>} : memref<2x4x10x8x128xi32, #tpu.memory_space<vmem>>, vector<16xi32>,
        %parallel_loop3A_485 = arith.constant 15 : i32
        %parallel_loop3A_486 = vector.broadcast %parallel_loop3A_485 : i32 to vector<16xi32>
        %parallel_loop3A_487 = arith.shrui %parallel_loop3A_216, %parallel_loop3A_486 : vector<16xi32>
        %parallel_loop3A_488 = arith.constant 1 : i32
        %parallel_loop3A_489 = vector.broadcast %parallel_loop3A_488 : i32 to vector<16xi32>
        %parallel_loop3A_490 = arith.andi %parallel_loop3A_487, %parallel_loop3A_489 : vector<16xi32>
        %parallel_loop3A_491 = arith.constant 0 : i32
        %parallel_loop3A_492 = arith.constant 1 : i32
        %parallel_loop3A_493 = arith.constant 7 : i32
        %parallel_loop3A_494 = arith.index_cast %parallel_loop3A_491 : i32 to index
        %parallel_loop3A_495 = arith.index_cast %parallel_loop3A_492 : i32 to index
        %parallel_loop3A_496 = arith.index_cast %parallel_loop3A_240 : i32 to index
        %parallel_loop3A_497 = arith.index_cast %parallel_loop3A_493 : i32 to index
        %parallel_loop3A_498 = arith.index_cast %parallel_loop3A_259 : i32 to index
        %parallel_loop3A_499 = tpu.vector_load %arg7[%parallel_loop3A_494, %parallel_loop3A_495, %parallel_loop3A_496, %parallel_loop3A_497, %parallel_loop3A_498] {strides = array<i32>} : memref<2x4x10x8x128xi32, #tpu.memory_space<vmem>>, vector<16xi32>,
        tpu.vector_store %arg7[%parallel_loop3A_494, %parallel_loop3A_495, %parallel_loop3A_496, %parallel_loop3A_497, %parallel_loop3A_498], %parallel_loop3A_490 {strides = array<i32>} : memref<2x4x10x8x128xi32, #tpu.memory_space<vmem>>, vector<16xi32>,
        %parallel_loop3A_500 = arith.constant 16 : i32
        %parallel_loop3A_501 = vector.broadcast %parallel_loop3A_500 : i32 to vector<16xi32>
        %parallel_loop3A_502 = arith.shrui %parallel_loop3A_216, %parallel_loop3A_501 : vector<16xi32>
        %parallel_loop3A_503 = arith.constant 1 : i32
        %parallel_loop3A_504 = vector.broadcast %parallel_loop3A_503 : i32 to vector<16xi32>
        %parallel_loop3A_505 = arith.andi %parallel_loop3A_502, %parallel_loop3A_504 : vector<16xi32>
        %parallel_loop3A_506 = arith.constant 0 : i32
        %parallel_loop3A_507 = arith.constant 2 : i32
        %parallel_loop3A_508 = arith.constant 0 : i32
        %parallel_loop3A_509 = arith.index_cast %parallel_loop3A_506 : i32 to index
        %parallel_loop3A_510 = arith.index_cast %parallel_loop3A_507 : i32 to index
        %parallel_loop3A_511 = arith.index_cast %parallel_loop3A_240 : i32 to index
        %parallel_loop3A_512 = arith.index_cast %parallel_loop3A_508 : i32 to index
        %parallel_loop3A_513 = arith.index_cast %parallel_loop3A_259 : i32 to index
        %parallel_loop3A_514 = tpu.vector_load %arg7[%parallel_loop3A_509, %parallel_loop3A_510, %parallel_loop3A_511, %parallel_loop3A_512, %parallel_loop3A_513] {strides = array<i32>} : memref<2x4x10x8x128xi32, #tpu.memory_space<vmem>>, vector<16xi32>,
        tpu.vector_store %arg7[%parallel_loop3A_509, %parallel_loop3A_510, %parallel_loop3A_511, %parallel_loop3A_512, %parallel_loop3A_513], %parallel_loop3A_505 {strides = array<i32>} : memref<2x4x10x8x128xi32, #tpu.memory_space<vmem>>, vector<16xi32>,
        %parallel_loop3A_515 = arith.constant 17 : i32
        %parallel_loop3A_516 = vector.broadcast %parallel_loop3A_515 : i32 to vector<16xi32>
        %parallel_loop3A_517 = arith.shrui %parallel_loop3A_216, %parallel_loop3A_516 : vector<16xi32>
        %parallel_loop3A_518 = arith.constant 1 : i32
        %parallel_loop3A_519 = vector.broadcast %parallel_loop3A_518 : i32 to vector<16xi32>
        %parallel_loop3A_520 = arith.andi %parallel_loop3A_517, %parallel_loop3A_519 : vector<16xi32>
        %parallel_loop3A_521 = arith.constant 0 : i32
        %parallel_loop3A_522 = arith.constant 2 : i32
        %parallel_loop3A_523 = arith.constant 1 : i32
        %parallel_loop3A_524 = arith.index_cast %parallel_loop3A_521 : i32 to index
        %parallel_loop3A_525 = arith.index_cast %parallel_loop3A_522 : i32 to index
        %parallel_loop3A_526 = arith.index_cast %parallel_loop3A_240 : i32 to index
        %parallel_loop3A_527 = arith.index_cast %parallel_loop3A_523 : i32 to index
        %parallel_loop3A_528 = arith.index_cast %parallel_loop3A_259 : i32 to index
        %parallel_loop3A_529 = tpu.vector_load %arg7[%parallel_loop3A_524, %parallel_loop3A_525, %parallel_loop3A_526, %parallel_loop3A_527, %parallel_loop3A_528] {strides = array<i32>} : memref<2x4x10x8x128xi32, #tpu.memory_space<vmem>>, vector<16xi32>,
        tpu.vector_store %arg7[%parallel_loop3A_524, %parallel_loop3A_525, %parallel_loop3A_526, %parallel_loop3A_527, %parallel_loop3A_528], %parallel_loop3A_520 {strides = array<i32>} : memref<2x4x10x8x128xi32, #tpu.memory_space<vmem>>, vector<16xi32>,
        %parallel_loop3A_530 = arith.constant 18 : i32
        %parallel_loop3A_531 = vector.broadcast %parallel_loop3A_530 : i32 to vector<16xi32>
        %parallel_loop3A_532 = arith.shrui %parallel_loop3A_216, %parallel_loop3A_531 : vector<16xi32>
        %parallel_loop3A_533 = arith.constant 1 : i32
        %parallel_loop3A_534 = vector.broadcast %parallel_loop3A_533 : i32 to vector<16xi32>
        %parallel_loop3A_535 = arith.andi %parallel_loop3A_532, %parallel_loop3A_534 : vector<16xi32>
        %parallel_loop3A_536 = arith.constant 0 : i32
        %parallel_loop3A_537 = arith.constant 2 : i32
        %parallel_loop3A_538 = arith.constant 2 : i32
        %parallel_loop3A_539 = arith.index_cast %parallel_loop3A_536 : i32 to index
        %parallel_loop3A_540 = arith.index_cast %parallel_loop3A_537 : i32 to index
        %parallel_loop3A_541 = arith.index_cast %parallel_loop3A_240 : i32 to index
        %parallel_loop3A_542 = arith.index_cast %parallel_loop3A_538 : i32 to index
        %parallel_loop3A_543 = arith.index_cast %parallel_loop3A_259 : i32 to index
        %parallel_loop3A_544 = tpu.vector_load %arg7[%parallel_loop3A_539, %parallel_loop3A_540, %parallel_loop3A_541, %parallel_loop3A_542, %parallel_loop3A_543] {strides = array<i32>} : memref<2x4x10x8x128xi32, #tpu.memory_space<vmem>>, vector<16xi32>,
        tpu.vector_store %arg7[%parallel_loop3A_539, %parallel_loop3A_540, %parallel_loop3A_541, %parallel_loop3A_542, %parallel_loop3A_543], %parallel_loop3A_535 {strides = array<i32>} : memref<2x4x10x8x128xi32, #tpu.memory_space<vmem>>, vector<16xi32>,
        %parallel_loop3A_545 = arith.constant 19 : i32
        %parallel_loop3A_546 = vector.broadcast %parallel_loop3A_545 : i32 to vector<16xi32>
        %parallel_loop3A_547 = arith.shrui %parallel_loop3A_216, %parallel_loop3A_546 : vector<16xi32>
        %parallel_loop3A_548 = arith.constant 1 : i32
        %parallel_loop3A_549 = vector.broadcast %parallel_loop3A_548 : i32 to vector<16xi32>
        %parallel_loop3A_550 = arith.andi %parallel_loop3A_547, %parallel_loop3A_549 : vector<16xi32>
        %parallel_loop3A_551 = arith.constant 0 : i32
        %parallel_loop3A_552 = arith.constant 2 : i32
        %parallel_loop3A_553 = arith.constant 3 : i32
        %parallel_loop3A_554 = arith.index_cast %parallel_loop3A_551 : i32 to index
        %parallel_loop3A_555 = arith.index_cast %parallel_loop3A_552 : i32 to index
        %parallel_loop3A_556 = arith.index_cast %parallel_loop3A_240 : i32 to index
        %parallel_loop3A_557 = arith.index_cast %parallel_loop3A_553 : i32 to index
        %parallel_loop3A_558 = arith.index_cast %parallel_loop3A_259 : i32 to index
        %parallel_loop3A_559 = tpu.vector_load %arg7[%parallel_loop3A_554, %parallel_loop3A_555, %parallel_loop3A_556, %parallel_loop3A_557, %parallel_loop3A_558] {strides = array<i32>} : memref<2x4x10x8x128xi32, #tpu.memory_space<vmem>>, vector<16xi32>,
        tpu.vector_store %arg7[%parallel_loop3A_554, %parallel_loop3A_555, %parallel_loop3A_556, %parallel_loop3A_557, %parallel_loop3A_558], %parallel_loop3A_550 {strides = array<i32>} : memref<2x4x10x8x128xi32, #tpu.memory_space<vmem>>, vector<16xi32>,
        %parallel_loop3A_560 = arith.constant 20 : i32
        %parallel_loop3A_561 = vector.broadcast %parallel_loop3A_560 : i32 to vector<16xi32>
        %parallel_loop3A_562 = arith.shrui %parallel_loop3A_216, %parallel_loop3A_561 : vector<16xi32>
        %parallel_loop3A_563 = arith.constant 1 : i32
        %parallel_loop3A_564 = vector.broadcast %parallel_loop3A_563 : i32 to vector<16xi32>
        %parallel_loop3A_565 = arith.andi %parallel_loop3A_562, %parallel_loop3A_564 : vector<16xi32>
        %parallel_loop3A_566 = arith.constant 0 : i32
        %parallel_loop3A_567 = arith.constant 2 : i32
        %parallel_loop3A_568 = arith.constant 4 : i32
        %parallel_loop3A_569 = arith.index_cast %parallel_loop3A_566 : i32 to index
        %parallel_loop3A_570 = arith.index_cast %parallel_loop3A_567 : i32 to index
        %parallel_loop3A_571 = arith.index_cast %parallel_loop3A_240 : i32 to index
        %parallel_loop3A_572 = arith.index_cast %parallel_loop3A_568 : i32 to index
        %parallel_loop3A_573 = arith.index_cast %parallel_loop3A_259 : i32 to index
        %parallel_loop3A_574 = tpu.vector_load %arg7[%parallel_loop3A_569, %parallel_loop3A_570, %parallel_loop3A_571, %parallel_loop3A_572, %parallel_loop3A_573] {strides = array<i32>} : memref<2x4x10x8x128xi32, #tpu.memory_space<vmem>>, vector<16xi32>,
        tpu.vector_store %arg7[%parallel_loop3A_569, %parallel_loop3A_570, %parallel_loop3A_571, %parallel_loop3A_572, %parallel_loop3A_573], %parallel_loop3A_565 {strides = array<i32>} : memref<2x4x10x8x128xi32, #tpu.memory_space<vmem>>, vector<16xi32>,
        %parallel_loop3A_575 = arith.constant 21 : i32
        %parallel_loop3A_576 = vector.broadcast %parallel_loop3A_575 : i32 to vector<16xi32>
        %parallel_loop3A_577 = arith.shrui %parallel_loop3A_216, %parallel_loop3A_576 : vector<16xi32>
        %parallel_loop3A_578 = arith.constant 1 : i32
        %parallel_loop3A_579 = vector.broadcast %parallel_loop3A_578 : i32 to vector<16xi32>
        %parallel_loop3A_580 = arith.andi %parallel_loop3A_577, %parallel_loop3A_579 : vector<16xi32>
        %parallel_loop3A_581 = arith.constant 0 : i32
        %parallel_loop3A_582 = arith.constant 2 : i32
        %parallel_loop3A_583 = arith.constant 5 : i32
        %parallel_loop3A_584 = arith.index_cast %parallel_loop3A_581 : i32 to index
        %parallel_loop3A_585 = arith.index_cast %parallel_loop3A_582 : i32 to index
        %parallel_loop3A_586 = arith.index_cast %parallel_loop3A_240 : i32 to index
        %parallel_loop3A_587 = arith.index_cast %parallel_loop3A_583 : i32 to index
        %parallel_loop3A_588 = arith.index_cast %parallel_loop3A_259 : i32 to index
        %parallel_loop3A_589 = tpu.vector_load %arg7[%parallel_loop3A_584, %parallel_loop3A_585, %parallel_loop3A_586, %parallel_loop3A_587, %parallel_loop3A_588] {strides = array<i32>} : memref<2x4x10x8x128xi32, #tpu.memory_space<vmem>>, vector<16xi32>,
        tpu.vector_store %arg7[%parallel_loop3A_584, %parallel_loop3A_585, %parallel_loop3A_586, %parallel_loop3A_587, %parallel_loop3A_588], %parallel_loop3A_580 {strides = array<i32>} : memref<2x4x10x8x128xi32, #tpu.memory_space<vmem>>, vector<16xi32>,
        %parallel_loop3A_590 = arith.constant 22 : i32
        %parallel_loop3A_591 = vector.broadcast %parallel_loop3A_590 : i32 to vector<16xi32>
        %parallel_loop3A_592 = arith.shrui %parallel_loop3A_216, %parallel_loop3A_591 : vector<16xi32>
        %parallel_loop3A_593 = arith.constant 1 : i32
        %parallel_loop3A_594 = vector.broadcast %parallel_loop3A_593 : i32 to vector<16xi32>
        %parallel_loop3A_595 = arith.andi %parallel_loop3A_592, %parallel_loop3A_594 : vector<16xi32>
        %parallel_loop3A_596 = arith.constant 0 : i32
        %parallel_loop3A_597 = arith.constant 2 : i32
        %parallel_loop3A_598 = arith.constant 6 : i32
        %parallel_loop3A_599 = arith.index_cast %parallel_loop3A_596 : i32 to index
        %parallel_loop3A_600 = arith.index_cast %parallel_loop3A_597 : i32 to index
        %parallel_loop3A_601 = arith.index_cast %parallel_loop3A_240 : i32 to index
        %parallel_loop3A_602 = arith.index_cast %parallel_loop3A_598 : i32 to index
        %parallel_loop3A_603 = arith.index_cast %parallel_loop3A_259 : i32 to index
        %parallel_loop3A_604 = tpu.vector_load %arg7[%parallel_loop3A_599, %parallel_loop3A_600, %parallel_loop3A_601, %parallel_loop3A_602, %parallel_loop3A_603] {strides = array<i32>} : memref<2x4x10x8x128xi32, #tpu.memory_space<vmem>>, vector<16xi32>,
        tpu.vector_store %arg7[%parallel_loop3A_599, %parallel_loop3A_600, %parallel_loop3A_601, %parallel_loop3A_602, %parallel_loop3A_603], %parallel_loop3A_595 {strides = array<i32>} : memref<2x4x10x8x128xi32, #tpu.memory_space<vmem>>, vector<16xi32>,
        %parallel_loop3A_605 = arith.constant 23 : i32
        %parallel_loop3A_606 = vector.broadcast %parallel_loop3A_605 : i32 to vector<16xi32>
        %parallel_loop3A_607 = arith.shrui %parallel_loop3A_216, %parallel_loop3A_606 : vector<16xi32>
        %parallel_loop3A_608 = arith.constant 1 : i32
        %parallel_loop3A_609 = vector.broadcast %parallel_loop3A_608 : i32 to vector<16xi32>
        %parallel_loop3A_610 = arith.andi %parallel_loop3A_607, %parallel_loop3A_609 : vector<16xi32>
        %parallel_loop3A_611 = arith.constant 0 : i32
        %parallel_loop3A_612 = arith.constant 2 : i32
        %parallel_loop3A_613 = arith.constant 7 : i32
        %parallel_loop3A_614 = arith.index_cast %parallel_loop3A_611 : i32 to index
        %parallel_loop3A_615 = arith.index_cast %parallel_loop3A_612 : i32 to index
        %parallel_loop3A_616 = arith.index_cast %parallel_loop3A_240 : i32 to index
        %parallel_loop3A_617 = arith.index_cast %parallel_loop3A_613 : i32 to index
        %parallel_loop3A_618 = arith.index_cast %parallel_loop3A_259 : i32 to index
        %parallel_loop3A_619 = tpu.vector_load %arg7[%parallel_loop3A_614, %parallel_loop3A_615, %parallel_loop3A_616, %parallel_loop3A_617, %parallel_loop3A_618] {strides = array<i32>} : memref<2x4x10x8x128xi32, #tpu.memory_space<vmem>>, vector<16xi32>,
        tpu.vector_store %arg7[%parallel_loop3A_614, %parallel_loop3A_615, %parallel_loop3A_616, %parallel_loop3A_617, %parallel_loop3A_618], %parallel_loop3A_610 {strides = array<i32>} : memref<2x4x10x8x128xi32, #tpu.memory_space<vmem>>, vector<16xi32>,
        %parallel_loop3A_620 = arith.constant 24 : i32
        %parallel_loop3A_621 = vector.broadcast %parallel_loop3A_620 : i32 to vector<16xi32>
        %parallel_loop3A_622 = arith.shrui %parallel_loop3A_216, %parallel_loop3A_621 : vector<16xi32>
        %parallel_loop3A_623 = arith.constant 1 : i32
        %parallel_loop3A_624 = vector.broadcast %parallel_loop3A_623 : i32 to vector<16xi32>
        %parallel_loop3A_625 = arith.andi %parallel_loop3A_622, %parallel_loop3A_624 : vector<16xi32>
        %parallel_loop3A_626 = arith.constant 0 : i32
        %parallel_loop3A_627 = arith.constant 3 : i32
        %parallel_loop3A_628 = arith.constant 0 : i32
        %parallel_loop3A_629 = arith.index_cast %parallel_loop3A_626 : i32 to index
        %parallel_loop3A_630 = arith.index_cast %parallel_loop3A_627 : i32 to index
        %parallel_loop3A_631 = arith.index_cast %parallel_loop3A_240 : i32 to index
        %parallel_loop3A_632 = arith.index_cast %parallel_loop3A_628 : i32 to index
        %parallel_loop3A_633 = arith.index_cast %parallel_loop3A_259 : i32 to index
        %parallel_loop3A_634 = tpu.vector_load %arg7[%parallel_loop3A_629, %parallel_loop3A_630, %parallel_loop3A_631, %parallel_loop3A_632, %parallel_loop3A_633] {strides = array<i32>} : memref<2x4x10x8x128xi32, #tpu.memory_space<vmem>>, vector<16xi32>,
        tpu.vector_store %arg7[%parallel_loop3A_629, %parallel_loop3A_630, %parallel_loop3A_631, %parallel_loop3A_632, %parallel_loop3A_633], %parallel_loop3A_625 {strides = array<i32>} : memref<2x4x10x8x128xi32, #tpu.memory_space<vmem>>, vector<16xi32>,
        %parallel_loop3A_635 = arith.constant 25 : i32
        %parallel_loop3A_636 = vector.broadcast %parallel_loop3A_635 : i32 to vector<16xi32>
        %parallel_loop3A_637 = arith.shrui %parallel_loop3A_216, %parallel_loop3A_636 : vector<16xi32>
        %parallel_loop3A_638 = arith.constant 1 : i32
        %parallel_loop3A_639 = vector.broadcast %parallel_loop3A_638 : i32 to vector<16xi32>
        %parallel_loop3A_640 = arith.andi %parallel_loop3A_637, %parallel_loop3A_639 : vector<16xi32>
        %parallel_loop3A_641 = arith.constant 0 : i32
        %parallel_loop3A_642 = arith.constant 3 : i32
        %parallel_loop3A_643 = arith.constant 1 : i32
        %parallel_loop3A_644 = arith.index_cast %parallel_loop3A_641 : i32 to index
        %parallel_loop3A_645 = arith.index_cast %parallel_loop3A_642 : i32 to index
        %parallel_loop3A_646 = arith.index_cast %parallel_loop3A_240 : i32 to index
        %parallel_loop3A_647 = arith.index_cast %parallel_loop3A_643 : i32 to index
        %parallel_loop3A_648 = arith.index_cast %parallel_loop3A_259 : i32 to index
        %parallel_loop3A_649 = tpu.vector_load %arg7[%parallel_loop3A_644, %parallel_loop3A_645, %parallel_loop3A_646, %parallel_loop3A_647, %parallel_loop3A_648] {strides = array<i32>} : memref<2x4x10x8x128xi32, #tpu.memory_space<vmem>>, vector<16xi32>,
        tpu.vector_store %arg7[%parallel_loop3A_644, %parallel_loop3A_645, %parallel_loop3A_646, %parallel_loop3A_647, %parallel_loop3A_648], %parallel_loop3A_640 {strides = array<i32>} : memref<2x4x10x8x128xi32, #tpu.memory_space<vmem>>, vector<16xi32>,
        %parallel_loop3A_650 = arith.constant 26 : i32
        %parallel_loop3A_651 = vector.broadcast %parallel_loop3A_650 : i32 to vector<16xi32>
        %parallel_loop3A_652 = arith.shrui %parallel_loop3A_216, %parallel_loop3A_651 : vector<16xi32>
        %parallel_loop3A_653 = arith.constant 1 : i32
        %parallel_loop3A_654 = vector.broadcast %parallel_loop3A_653 : i32 to vector<16xi32>
        %parallel_loop3A_655 = arith.andi %parallel_loop3A_652, %parallel_loop3A_654 : vector<16xi32>
        %parallel_loop3A_656 = arith.constant 0 : i32
        %parallel_loop3A_657 = arith.constant 3 : i32
        %parallel_loop3A_658 = arith.constant 2 : i32
        %parallel_loop3A_659 = arith.index_cast %parallel_loop3A_656 : i32 to index
        %parallel_loop3A_660 = arith.index_cast %parallel_loop3A_657 : i32 to index
        %parallel_loop3A_661 = arith.index_cast %parallel_loop3A_240 : i32 to index
        %parallel_loop3A_662 = arith.index_cast %parallel_loop3A_658 : i32 to index
        %parallel_loop3A_663 = arith.index_cast %parallel_loop3A_259 : i32 to index
        %parallel_loop3A_664 = tpu.vector_load %arg7[%parallel_loop3A_659, %parallel_loop3A_660, %parallel_loop3A_661, %parallel_loop3A_662, %parallel_loop3A_663] {strides = array<i32>} : memref<2x4x10x8x128xi32, #tpu.memory_space<vmem>>, vector<16xi32>,
        tpu.vector_store %arg7[%parallel_loop3A_659, %parallel_loop3A_660, %parallel_loop3A_661, %parallel_loop3A_662, %parallel_loop3A_663], %parallel_loop3A_655 {strides = array<i32>} : memref<2x4x10x8x128xi32, #tpu.memory_space<vmem>>, vector<16xi32>,
        %parallel_loop3A_665 = arith.constant 27 : i32
        %parallel_loop3A_666 = vector.broadcast %parallel_loop3A_665 : i32 to vector<16xi32>
        %parallel_loop3A_667 = arith.shrui %parallel_loop3A_216, %parallel_loop3A_666 : vector<16xi32>
        %parallel_loop3A_668 = arith.constant 1 : i32
        %parallel_loop3A_669 = vector.broadcast %parallel_loop3A_668 : i32 to vector<16xi32>
        %parallel_loop3A_670 = arith.andi %parallel_loop3A_667, %parallel_loop3A_669 : vector<16xi32>
        %parallel_loop3A_671 = arith.constant 0 : i32
        %parallel_loop3A_672 = arith.constant 3 : i32
        %parallel_loop3A_673 = arith.constant 3 : i32
        %parallel_loop3A_674 = arith.index_cast %parallel_loop3A_671 : i32 to index
        %parallel_loop3A_675 = arith.index_cast %parallel_loop3A_672 : i32 to index
        %parallel_loop3A_676 = arith.index_cast %parallel_loop3A_240 : i32 to index
        %parallel_loop3A_677 = arith.index_cast %parallel_loop3A_673 : i32 to index
        %parallel_loop3A_678 = arith.index_cast %parallel_loop3A_259 : i32 to index
        %parallel_loop3A_679 = tpu.vector_load %arg7[%parallel_loop3A_674, %parallel_loop3A_675, %parallel_loop3A_676, %parallel_loop3A_677, %parallel_loop3A_678] {strides = array<i32>} : memref<2x4x10x8x128xi32, #tpu.memory_space<vmem>>, vector<16xi32>,
        tpu.vector_store %arg7[%parallel_loop3A_674, %parallel_loop3A_675, %parallel_loop3A_676, %parallel_loop3A_677, %parallel_loop3A_678], %parallel_loop3A_670 {strides = array<i32>} : memref<2x4x10x8x128xi32, #tpu.memory_space<vmem>>, vector<16xi32>,
      } {sc.loop_unroll_factor = 2 : i64, sc.parallel_access}
      %mul3A_104 = arith.constant 10 : i32
      %mul3A_105 = arith.muli %add3A_99, %mul3A_104 : i32
      %add3A_106 = arith.addi %mul3A_4, %mul3A_105 : i32
      %multiple_of3A = tpu.assume_multiple %add3A_106, 10 : i32
      %dma_start3A = arith.constant 0 : i32
      %dma_start3A_107 = arith.constant 0 : i32
      %dma_start3A_108 = arith.constant 0 : i32
      %dma_start3A_109 = arith.constant 0 : i32
      %dma_start3A_110 = arith.constant 0 : i32
      %dma_start3A_111 = tpu.memref_slice %arg7[%dma_start3A, %dma_start3A_107, %dma_start3A_108, %dma_start3A_109, %dma_start3A_110] : memref<2x4x10x8x128xi32, #tpu.memory_space<vmem>> -> memref<1x3x10x8x128xi32, #tpu.memory_space<vmem>>
      %dma_start3A_112 = tpu.memref_squeeze %dma_start3A_111 : memref<1x3x10x8x128xi32, #tpu.memory_space<vmem>> -> memref<3x10x8x128xi32, #tpu.memory_space<vmem>>
      %dma_start3A_113 = arith.constant 0 : i32
      %dma_start3A_114 = arith.constant 0 : i32
      %dma_start3A_115 = arith.constant 0 : i32
      %dma_start3A_116 = tpu.memref_slice %arg4[%dma_start3A_113, %multiple_of3A, %dma_start3A_114, %dma_start3A_115] : memref<4x6400x8x128xi32, #tpu.memory_space<hbm>> -> memref<3x10x8x128xi32, #tpu.memory_space<hbm>>
      %dma_start3A_117 = arith.constant 0 : i32
      %dma_start3A_118 = arith.constant 0 : i32
      %dma_start3A_119 = arith.constant 0 : i32
      %dma_start3A_120 = tpu.memref_slice %arg4[%dma_start3A_117, %multiple_of3A, %dma_start3A_118, %dma_start3A_119] : memref<4x6400x8x128xi32, #tpu.memory_space<hbm>> -> memref<3x10x8x128xi32, #tpu.memory_space<hbm>>
      %dma_start3A_121 = arith.constant 0 : i32
      %dma_start3A_122 = arith.constant 0 : i32
      %dma_start3A_123 = arith.constant 0 : i32
      %dma_start3A_124 = arith.constant 0 : i32
      %dma_start3A_125 = tpu.memref_slice %arg7[%dma_start3A, %dma_start3A_121, %dma_start3A_122, %dma_start3A_123, %dma_start3A_124] : memref<2x4x10x8x128xi32, #tpu.memory_space<vmem>> -> memref<1x3x10x8x128xi32, #tpu.memory_space<vmem>>
      %dma_start3A_126 = tpu.memref_squeeze %dma_start3A_125 : memref<1x3x10x8x128xi32, #tpu.memory_space<vmem>> -> memref<3x10x8x128xi32, #tpu.memory_space<vmem>>
      tpu.enqueue_dma source(%dma_start3A_126 : memref<3x10x8x128xi32, #tpu.memory_space<vmem>>) target(%dma_start3A_120 : memref<3x10x8x128xi32, #tpu.memory_space<hbm>>) target_semaphore(%arg8 : memref<!tpu.dma_semaphore, #tpu.memory_space<semaphore_mem>>)
      %dma_start3A_127 = arith.constant 0 : i32
      %dma_start3A_128 = arith.constant 3 : i32
      %dma_start3A_129 = arith.constant 3 : i32
      %dma_start3A_130 = arith.constant 0 : i32
      %dma_start3A_131 = arith.constant 0 : i32
      %dma_start3A_132 = arith.constant 0 : i32
      %dma_start3A_133 = tpu.memref_slice %arg7[%dma_start3A_127, %dma_start3A_128, %dma_start3A_130, %dma_start3A_131, %dma_start3A_132] : memref<2x4x10x8x128xi32, #tpu.memory_space<vmem>> -> memref<1x1x10x4x128xi32, #tpu.memory_space<vmem>>
      %dma_start3A_134 = tpu.memref_squeeze %dma_start3A_133 : memref<1x1x10x4x128xi32, #tpu.memory_space<vmem>> -> memref<10x4x128xi32, #tpu.memory_space<vmem>>
      %dma_start3A_135 = arith.constant 0 : i32
      %dma_start3A_136 = arith.constant 0 : i32
      %dma_start3A_137 = tpu.memref_slice %arg4[%dma_start3A_129, %multiple_of3A, %dma_start3A_135, %dma_start3A_136] : memref<4x6400x8x128xi32, #tpu.memory_space<hbm>> -> memref<1x10x4x128xi32, #tpu.memory_space<hbm>>
      %dma_start3A_138 = tpu.memref_squeeze %dma_start3A_137 : memref<1x10x4x128xi32, #tpu.memory_space<hbm>> -> memref<10x4x128xi32, #tpu.memory_space<hbm>>
      %dma_start3A_139 = arith.constant 0 : i32
      %dma_start3A_140 = arith.constant 0 : i32
      %dma_start3A_141 = tpu.memref_slice %arg4[%dma_start3A_129, %multiple_of3A, %dma_start3A_139, %dma_start3A_140] : memref<4x6400x8x128xi32, #tpu.memory_space<hbm>> -> memref<1x10x4x128xi32, #tpu.memory_space<hbm>>
      %dma_start3A_142 = tpu.memref_squeeze %dma_start3A_141 : memref<1x10x4x128xi32, #tpu.memory_space<hbm>> -> memref<10x4x128xi32, #tpu.memory_space<hbm>>
      %dma_start3A_143 = arith.constant 0 : i32
      %dma_start3A_144 = arith.constant 0 : i32
      %dma_start3A_145 = arith.constant 0 : i32
      %dma_start3A_146 = tpu.memref_slice %arg7[%dma_start3A_127, %dma_start3A_128, %dma_start3A_143, %dma_start3A_144, %dma_start3A_145] : memref<2x4x10x8x128xi32, #tpu.memory_space<vmem>> -> memref<1x1x10x4x128xi32, #tpu.memory_space<vmem>>
      %dma_start3A_147 = tpu.memref_squeeze %dma_start3A_146 : memref<1x1x10x4x128xi32, #tpu.memory_space<vmem>> -> memref<10x4x128xi32, #tpu.memory_space<vmem>>
      tpu.enqueue_dma source(%dma_start3A_147 : memref<10x4x128xi32, #tpu.memory_space<vmem>>) target(%dma_start3A_142 : memref<10x4x128xi32, #tpu.memory_space<hbm>>) target_semaphore(%arg8 : memref<!tpu.dma_semaphore, #tpu.memory_space<semaphore_mem>>)
      %mul3A_148 = arith.constant 2 : i32
      %mul3A_149 = arith.muli %scan3A_94, %mul3A_148 : i32
      %add3A_150 = arith.constant 1 : i32
      %add3A_151 = arith.addi %mul3A_149, %add3A_150 : i32
      %gt3A_152 = arith.constant 0 : i32
      %gt3A_153 = arith.cmpi sgt, %scan3A_94, %gt3A_152 : i32
      %convert_element_type3A_154 = arith.extui %gt3A_153 : i1 to i32
      %cond3A_155 = arith.constant 0 : i32
      %cond3A_156 = arith.cmpi ne, %convert_element_type3A_154, %cond3A_155 : i32
      scf.if %cond3A_156 {
        %dma_wait3A_207 = arith.constant 1 : i32
        %dma_wait3A_208 = arith.constant 0 : i32
        %dma_wait3A_209 = arith.constant 0 : i32
        %dma_wait3A_210 = arith.constant 0 : i32
        %dma_wait3A_211 = arith.constant 0 : i32
        %dma_wait3A_212 = tpu.memref_slice %arg7[%dma_wait3A_207, %dma_wait3A_208, %dma_wait3A_209, %dma_wait3A_210, %dma_wait3A_211] : memref<2x4x10x8x128xi32, #tpu.memory_space<vmem>> -> memref<1x3x10x8x128xi32, #tpu.memory_space<vmem>>
        %dma_wait3A_213 = tpu.memref_squeeze %dma_wait3A_212 : memref<1x3x10x8x128xi32, #tpu.memory_space<vmem>> -> memref<3x10x8x128xi32, #tpu.memory_space<vmem>>
        %dma_wait3A_214 = arith.constant 0 : i32
        %dma_wait3A_215 = arith.constant 0 : i32
        %dma_wait3A_216 = arith.constant 0 : i32
        %dma_wait3A_217 = tpu.memref_slice %arg4[%dma_wait3A_214, %mul3A_4, %dma_wait3A_215, %dma_wait3A_216] : memref<4x6400x8x128xi32, #tpu.memory_space<hbm>> -> memref<3x10x8x128xi32, #tpu.memory_space<hbm>>
        %dma_wait3A_218 = arith.constant 0 : i32
        %dma_wait3A_219 = arith.constant 0 : i32
        %dma_wait3A_220 = arith.constant 0 : i32
        %dma_wait3A_221 = arith.constant 0 : i32
        %dma_wait3A_222 = tpu.memref_slice %arg7[%dma_wait3A_207, %dma_wait3A_218, %dma_wait3A_219, %dma_wait3A_220, %dma_wait3A_221] : memref<2x4x10x8x128xi32, #tpu.memory_space<vmem>> -> memref<1x3x10x8x128xi32, #tpu.memory_space<vmem>>
        %dma_wait3A_223 = tpu.memref_squeeze %dma_wait3A_222 : memref<1x3x10x8x128xi32, #tpu.memory_space<vmem>> -> memref<3x10x8x128xi32, #tpu.memory_space<vmem>>
        %dma_wait3A_224 = arith.constant 0 : i32
        %dma_wait3A_225 = arith.constant 0 : i32
        %dma_wait3A_226 = arith.constant 0 : i32
        %dma_wait3A_227 = tpu.memref_slice %arg4[%dma_wait3A_224, %mul3A_4, %dma_wait3A_225, %dma_wait3A_226] : memref<4x6400x8x128xi32, #tpu.memory_space<hbm>> -> memref<3x10x8x128xi32, #tpu.memory_space<hbm>>
        tpu.wait_dma2 semaphore(%arg9 : memref<!tpu.dma_semaphore, #tpu.memory_space<semaphore_mem>>) src(%dma_wait3A_227 : memref<3x10x8x128xi32, #tpu.memory_space<hbm>>) dst(%dma_wait3A_223 : memref<3x10x8x128xi32, #tpu.memory_space<vmem>>)
        %dma_wait3A_228 = arith.constant 3 : i32
        %dma_wait3A_229 = arith.constant 1 : i32
        %dma_wait3A_230 = arith.constant 3 : i32
        %dma_wait3A_231 = arith.constant 0 : i32
        %dma_wait3A_232 = arith.constant 0 : i32
        %dma_wait3A_233 = arith.constant 0 : i32
        %dma_wait3A_234 = tpu.memref_slice %arg7[%dma_wait3A_229, %dma_wait3A_230, %dma_wait3A_231, %dma_wait3A_232, %dma_wait3A_233] : memref<2x4x10x8x128xi32, #tpu.memory_space<vmem>> -> memref<1x1x10x4x128xi32, #tpu.memory_space<vmem>>
        %dma_wait3A_235 = tpu.memref_squeeze %dma_wait3A_234 : memref<1x1x10x4x128xi32, #tpu.memory_space<vmem>> -> memref<10x4x128xi32, #tpu.memory_space<vmem>>
        %dma_wait3A_236 = arith.constant 0 : i32
        %dma_wait3A_237 = arith.constant 0 : i32
        %dma_wait3A_238 = tpu.memref_slice %arg4[%dma_wait3A_228, %mul3A_4, %dma_wait3A_236, %dma_wait3A_237] : memref<4x6400x8x128xi32, #tpu.memory_space<hbm>> -> memref<1x10x4x128xi32, #tpu.memory_space<hbm>>
        %dma_wait3A_239 = tpu.memref_squeeze %dma_wait3A_238 : memref<1x10x4x128xi32, #tpu.memory_space<hbm>> -> memref<10x4x128xi32, #tpu.memory_space<hbm>>
        %dma_wait3A_240 = arith.constant 0 : i32
        %dma_wait3A_241 = arith.constant 0 : i32
        %dma_wait3A_242 = arith.constant 0 : i32
        %dma_wait3A_243 = tpu.memref_slice %arg7[%dma_wait3A_229, %dma_wait3A_230, %dma_wait3A_240, %dma_wait3A_241, %dma_wait3A_242] : memref<2x4x10x8x128xi32, #tpu.memory_space<vmem>> -> memref<1x1x10x4x128xi32, #tpu.memory_space<vmem>>
        %dma_wait3A_244 = tpu.memref_squeeze %dma_wait3A_243 : memref<1x1x10x4x128xi32, #tpu.memory_space<vmem>> -> memref<10x4x128xi32, #tpu.memory_space<vmem>>
        %dma_wait3A_245 = arith.constant 0 : i32
        %dma_wait3A_246 = arith.constant 0 : i32
        %dma_wait3A_247 = tpu.memref_slice %arg4[%dma_wait3A_228, %mul3A_4, %dma_wait3A_245, %dma_wait3A_246] : memref<4x6400x8x128xi32, #tpu.memory_space<hbm>> -> memref<1x10x4x128xi32, #tpu.memory_space<hbm>>
        %dma_wait3A_248 = tpu.memref_squeeze %dma_wait3A_247 : memref<1x10x4x128xi32, #tpu.memory_space<hbm>> -> memref<10x4x128xi32, #tpu.memory_space<hbm>>
        tpu.wait_dma2 semaphore(%arg9 : memref<!tpu.dma_semaphore, #tpu.memory_space<semaphore_mem>>) src(%dma_wait3A_248 : memref<10x4x128xi32, #tpu.memory_space<hbm>>) dst(%dma_wait3A_244 : memref<10x4x128xi32, #tpu.memory_space<vmem>>)
      } else {
      }
      %parallel_loop3A_157 = arith.constant 0 : i32
      %parallel_loop3A_158 = arith.constant 80 : i32
      %parallel_loop3A_159 = arith.constant 1 : i32
      scf.for %parallel_loop3A_207 = %parallel_loop3A_157 to %parallel_loop3A_158 step %parallel_loop3A_159  : i32 {
        %parallel_loop3A_208 = arith.constant 1280 : i32
        %parallel_loop3A_209 = arith.muli %add3A_151, %parallel_loop3A_208 : i32
        %parallel_loop3A_210 = arith.constant 16 : i32
        %parallel_loop3A_211 = arith.muli %parallel_loop3A_207, %parallel_loop3A_210 : i32
        %parallel_loop3A_212 = arith.addi %parallel_loop3A_209, %parallel_loop3A_211 : i32
        %parallel_loop3A_213 = tpu.assume_multiple %parallel_loop3A_212, 16 : i32
        %parallel_loop3A_214 = arith.index_cast %parallel_loop3A_213 : i32 to index
        %parallel_loop3A_215 = tpu.vector_load %arg5[%parallel_loop3A_214] {strides = array<i32>} : memref<25600xi32, #tpu.memory_space<vmem>>, vector<16xi32>,
        %parallel_loop3A_216 = tpu.vector_load_idx %arg6[%parallel_loop3A_215] : memref<128xi32, #tpu.memory_space<vmem>>[vector<16xi32>], vector<16xi32>,
        %parallel_loop3A_217 = arith.constant 8 : i32
        %parallel_loop3A_218 = arith.divsi %parallel_loop3A_207, %parallel_loop3A_217 : i32
        %parallel_loop3A_219 = arith.constant 0 : i32
        %parallel_loop3A_220 = arith.cmpi sgt, %parallel_loop3A_207, %parallel_loop3A_219 : i32
        %parallel_loop3A_221 = arith.extui %parallel_loop3A_220 : i1 to i32
        %parallel_loop3A_222 = arith.constant 0 : i32
        %parallel_loop3A_223 = arith.cmpi slt, %parallel_loop3A_207, %parallel_loop3A_222 : i32
        %parallel_loop3A_224 = arith.extui %parallel_loop3A_223 : i1 to i32
        %parallel_loop3A_225 = arith.subi %parallel_loop3A_221, %parallel_loop3A_224 : i32
        %parallel_loop3A_226 = arith.constant 0 : i32
        %parallel_loop3A_227 = arith.cmpi sgt, %parallel_loop3A_217, %parallel_loop3A_226 : i32
        %parallel_loop3A_228 = arith.extui %parallel_loop3A_227 : i1 to i32
        %parallel_loop3A_229 = arith.constant 0 : i32
        %parallel_loop3A_230 = arith.cmpi slt, %parallel_loop3A_217, %parallel_loop3A_229 : i32
        %parallel_loop3A_231 = arith.extui %parallel_loop3A_230 : i1 to i32
        %parallel_loop3A_232 = arith.subi %parallel_loop3A_228, %parallel_loop3A_231 : i32
        %parallel_loop3A_233 = arith.cmpi ne, %parallel_loop3A_225, %parallel_loop3A_232 : i32
        %parallel_loop3A_234 = arith.remsi %parallel_loop3A_207, %parallel_loop3A_217 : i32
        %parallel_loop3A_235 = arith.constant 0 : i32
        %parallel_loop3A_236 = arith.cmpi ne, %parallel_loop3A_234, %parallel_loop3A_235 : i32
        %parallel_loop3A_237 = arith.andi %parallel_loop3A_233, %parallel_loop3A_236 : i1
        %parallel_loop3A_238 = arith.constant 1 : i32
        %parallel_loop3A_239 = arith.subi %parallel_loop3A_218, %parallel_loop3A_238 : i32
        %parallel_loop3A_240 = arith.select %parallel_loop3A_237, %parallel_loop3A_239, %parallel_loop3A_218 : i32
        %parallel_loop3A_241 = arith.constant 8 : i32
        %parallel_loop3A_242 = arith.constant 0 : i32
        %parallel_loop3A_243 = arith.cmpi eq, %parallel_loop3A_241, %parallel_loop3A_242 : i32
        %parallel_loop3A_244 = arith.constant 1 : i32
        %parallel_loop3A_245 = arith.select %parallel_loop3A_243, %parallel_loop3A_244, %parallel_loop3A_241 : i32
        %parallel_loop3A_246 = arith.remsi %parallel_loop3A_207, %parallel_loop3A_245 : i32
        %parallel_loop3A_247 = arith.constant 0 : i32
        %parallel_loop3A_248 = arith.cmpi ne, %parallel_loop3A_246, %parallel_loop3A_247 : i32
        %parallel_loop3A_249 = arith.constant 0 : i32
        %parallel_loop3A_250 = arith.cmpi slt, %parallel_loop3A_246, %parallel_loop3A_249 : i32
        %parallel_loop3A_251 = arith.constant 0 : i32
        %parallel_loop3A_252 = arith.cmpi slt, %parallel_loop3A_245, %parallel_loop3A_251 : i32
        %parallel_loop3A_253 = arith.xori %parallel_loop3A_250, %parallel_loop3A_252 : i1
        %parallel_loop3A_254 = arith.andi %parallel_loop3A_253, %parallel_loop3A_248 : i1
        %parallel_loop3A_255 = arith.addi %parallel_loop3A_246, %parallel_loop3A_245 : i32
        %parallel_loop3A_256 = arith.select %parallel_loop3A_254, %parallel_loop3A_255, %parallel_loop3A_246 : i32
        %parallel_loop3A_257 = arith.constant 16 : i32
        %parallel_loop3A_258 = arith.muli %parallel_loop3A_256, %parallel_loop3A_257 : i32
        %parallel_loop3A_259 = tpu.assume_multiple %parallel_loop3A_258, 16 : i32
        %parallel_loop3A_260 = arith.constant 0 : i32
        %parallel_loop3A_261 = vector.broadcast %parallel_loop3A_260 : i32 to vector<16xi32>
        %parallel_loop3A_262 = arith.shrui %parallel_loop3A_216, %parallel_loop3A_261 : vector<16xi32>
        %parallel_loop3A_263 = arith.constant 1 : i32
        %parallel_loop3A_264 = vector.broadcast %parallel_loop3A_263 : i32 to vector<16xi32>
        %parallel_loop3A_265 = arith.andi %parallel_loop3A_262, %parallel_loop3A_264 : vector<16xi32>
        %parallel_loop3A_266 = arith.constant 1 : i32
        %parallel_loop3A_267 = arith.constant 0 : i32
        %parallel_loop3A_268 = arith.constant 0 : i32
        %parallel_loop3A_269 = arith.index_cast %parallel_loop3A_266 : i32 to index
        %parallel_loop3A_270 = arith.index_cast %parallel_loop3A_267 : i32 to index
        %parallel_loop3A_271 = arith.index_cast %parallel_loop3A_240 : i32 to index
        %parallel_loop3A_272 = arith.index_cast %parallel_loop3A_268 : i32 to index
        %parallel_loop3A_273 = arith.index_cast %parallel_loop3A_259 : i32 to index
        %parallel_loop3A_274 = tpu.vector_load %arg7[%parallel_loop3A_269, %parallel_loop3A_270, %parallel_loop3A_271, %parallel_loop3A_272, %parallel_loop3A_273] {strides = array<i32>} : memref<2x4x10x8x128xi32, #tpu.memory_space<vmem>>, vector<16xi32>,
        tpu.vector_store %arg7[%parallel_loop3A_269, %parallel_loop3A_270, %parallel_loop3A_271, %parallel_loop3A_272, %parallel_loop3A_273], %parallel_loop3A_265 {strides = array<i32>} : memref<2x4x10x8x128xi32, #tpu.memory_space<vmem>>, vector<16xi32>,
        %parallel_loop3A_275 = arith.constant 1 : i32
        %parallel_loop3A_276 = vector.broadcast %parallel_loop3A_275 : i32 to vector<16xi32>
        %parallel_loop3A_277 = arith.shrui %parallel_loop3A_216, %parallel_loop3A_276 : vector<16xi32>
        %parallel_loop3A_278 = arith.constant 1 : i32
        %parallel_loop3A_279 = vector.broadcast %parallel_loop3A_278 : i32 to vector<16xi32>
        %parallel_loop3A_280 = arith.andi %parallel_loop3A_277, %parallel_loop3A_279 : vector<16xi32>
        %parallel_loop3A_281 = arith.constant 1 : i32
        %parallel_loop3A_282 = arith.constant 0 : i32
        %parallel_loop3A_283 = arith.constant 1 : i32
        %parallel_loop3A_284 = arith.index_cast %parallel_loop3A_281 : i32 to index
        %parallel_loop3A_285 = arith.index_cast %parallel_loop3A_282 : i32 to index
        %parallel_loop3A_286 = arith.index_cast %parallel_loop3A_240 : i32 to index
        %parallel_loop3A_287 = arith.index_cast %parallel_loop3A_283 : i32 to index
        %parallel_loop3A_288 = arith.index_cast %parallel_loop3A_259 : i32 to index
        %parallel_loop3A_289 = tpu.vector_load %arg7[%parallel_loop3A_284, %parallel_loop3A_285, %parallel_loop3A_286, %parallel_loop3A_287, %parallel_loop3A_288] {strides = array<i32>} : memref<2x4x10x8x128xi32, #tpu.memory_space<vmem>>, vector<16xi32>,
        tpu.vector_store %arg7[%parallel_loop3A_284, %parallel_loop3A_285, %parallel_loop3A_286, %parallel_loop3A_287, %parallel_loop3A_288], %parallel_loop3A_280 {strides = array<i32>} : memref<2x4x10x8x128xi32, #tpu.memory_space<vmem>>, vector<16xi32>,
        %parallel_loop3A_290 = arith.constant 2 : i32
        %parallel_loop3A_291 = vector.broadcast %parallel_loop3A_290 : i32 to vector<16xi32>
        %parallel_loop3A_292 = arith.shrui %parallel_loop3A_216, %parallel_loop3A_291 : vector<16xi32>
        %parallel_loop3A_293 = arith.constant 1 : i32
        %parallel_loop3A_294 = vector.broadcast %parallel_loop3A_293 : i32 to vector<16xi32>
        %parallel_loop3A_295 = arith.andi %parallel_loop3A_292, %parallel_loop3A_294 : vector<16xi32>
        %parallel_loop3A_296 = arith.constant 1 : i32
        %parallel_loop3A_297 = arith.constant 0 : i32
        %parallel_loop3A_298 = arith.constant 2 : i32
        %parallel_loop3A_299 = arith.index_cast %parallel_loop3A_296 : i32 to index
        %parallel_loop3A_300 = arith.index_cast %parallel_loop3A_297 : i32 to index
        %parallel_loop3A_301 = arith.index_cast %parallel_loop3A_240 : i32 to index
        %parallel_loop3A_302 = arith.index_cast %parallel_loop3A_298 : i32 to index
        %parallel_loop3A_303 = arith.index_cast %parallel_loop3A_259 : i32 to index
        %parallel_loop3A_304 = tpu.vector_load %arg7[%parallel_loop3A_299, %parallel_loop3A_300, %parallel_loop3A_301, %parallel_loop3A_302, %parallel_loop3A_303] {strides = array<i32>} : memref<2x4x10x8x128xi32, #tpu.memory_space<vmem>>, vector<16xi32>,
        tpu.vector_store %arg7[%parallel_loop3A_299, %parallel_loop3A_300, %parallel_loop3A_301, %parallel_loop3A_302, %parallel_loop3A_303], %parallel_loop3A_295 {strides = array<i32>} : memref<2x4x10x8x128xi32, #tpu.memory_space<vmem>>, vector<16xi32>,
        %parallel_loop3A_305 = arith.constant 3 : i32
        %parallel_loop3A_306 = vector.broadcast %parallel_loop3A_305 : i32 to vector<16xi32>
        %parallel_loop3A_307 = arith.shrui %parallel_loop3A_216, %parallel_loop3A_306 : vector<16xi32>
        %parallel_loop3A_308 = arith.constant 1 : i32
        %parallel_loop3A_309 = vector.broadcast %parallel_loop3A_308 : i32 to vector<16xi32>
        %parallel_loop3A_310 = arith.andi %parallel_loop3A_307, %parallel_loop3A_309 : vector<16xi32>
        %parallel_loop3A_311 = arith.constant 1 : i32
        %parallel_loop3A_312 = arith.constant 0 : i32
        %parallel_loop3A_313 = arith.constant 3 : i32
        %parallel_loop3A_314 = arith.index_cast %parallel_loop3A_311 : i32 to index
        %parallel_loop3A_315 = arith.index_cast %parallel_loop3A_312 : i32 to index
        %parallel_loop3A_316 = arith.index_cast %parallel_loop3A_240 : i32 to index
        %parallel_loop3A_317 = arith.index_cast %parallel_loop3A_313 : i32 to index
        %parallel_loop3A_318 = arith.index_cast %parallel_loop3A_259 : i32 to index
        %parallel_loop3A_319 = tpu.vector_load %arg7[%parallel_loop3A_314, %parallel_loop3A_315, %parallel_loop3A_316, %parallel_loop3A_317, %parallel_loop3A_318] {strides = array<i32>} : memref<2x4x10x8x128xi32, #tpu.memory_space<vmem>>, vector<16xi32>,
        tpu.vector_store %arg7[%parallel_loop3A_314, %parallel_loop3A_315, %parallel_loop3A_316, %parallel_loop3A_317, %parallel_loop3A_318], %parallel_loop3A_310 {strides = array<i32>} : memref<2x4x10x8x128xi32, #tpu.memory_space<vmem>>, vector<16xi32>,
        %parallel_loop3A_320 = arith.constant 4 : i32
        %parallel_loop3A_321 = vector.broadcast %parallel_loop3A_320 : i32 to vector<16xi32>
        %parallel_loop3A_322 = arith.shrui %parallel_loop3A_216, %parallel_loop3A_321 : vector<16xi32>
        %parallel_loop3A_323 = arith.constant 1 : i32
        %parallel_loop3A_324 = vector.broadcast %parallel_loop3A_323 : i32 to vector<16xi32>
        %parallel_loop3A_325 = arith.andi %parallel_loop3A_322, %parallel_loop3A_324 : vector<16xi32>
        %parallel_loop3A_326 = arith.constant 1 : i32
        %parallel_loop3A_327 = arith.constant 0 : i32
        %parallel_loop3A_328 = arith.constant 4 : i32
        %parallel_loop3A_329 = arith.index_cast %parallel_loop3A_326 : i32 to index
        %parallel_loop3A_330 = arith.index_cast %parallel_loop3A_327 : i32 to index
        %parallel_loop3A_331 = arith.index_cast %parallel_loop3A_240 : i32 to index
        %parallel_loop3A_332 = arith.index_cast %parallel_loop3A_328 : i32 to index
        %parallel_loop3A_333 = arith.index_cast %parallel_loop3A_259 : i32 to index
        %parallel_loop3A_334 = tpu.vector_load %arg7[%parallel_loop3A_329, %parallel_loop3A_330, %parallel_loop3A_331, %parallel_loop3A_332, %parallel_loop3A_333] {strides = array<i32>} : memref<2x4x10x8x128xi32, #tpu.memory_space<vmem>>, vector<16xi32>,
        tpu.vector_store %arg7[%parallel_loop3A_329, %parallel_loop3A_330, %parallel_loop3A_331, %parallel_loop3A_332, %parallel_loop3A_333], %parallel_loop3A_325 {strides = array<i32>} : memref<2x4x10x8x128xi32, #tpu.memory_space<vmem>>, vector<16xi32>,
        %parallel_loop3A_335 = arith.constant 5 : i32
        %parallel_loop3A_336 = vector.broadcast %parallel_loop3A_335 : i32 to vector<16xi32>
        %parallel_loop3A_337 = arith.shrui %parallel_loop3A_216, %parallel_loop3A_336 : vector<16xi32>
        %parallel_loop3A_338 = arith.constant 1 : i32
        %parallel_loop3A_339 = vector.broadcast %parallel_loop3A_338 : i32 to vector<16xi32>
        %parallel_loop3A_340 = arith.andi %parallel_loop3A_337, %parallel_loop3A_339 : vector<16xi32>
        %parallel_loop3A_341 = arith.constant 1 : i32
        %parallel_loop3A_342 = arith.constant 0 : i32
        %parallel_loop3A_343 = arith.constant 5 : i32
        %parallel_loop3A_344 = arith.index_cast %parallel_loop3A_341 : i32 to index
        %parallel_loop3A_345 = arith.index_cast %parallel_loop3A_342 : i32 to index
        %parallel_loop3A_346 = arith.index_cast %parallel_loop3A_240 : i32 to index
        %parallel_loop3A_347 = arith.index_cast %parallel_loop3A_343 : i32 to index
        %parallel_loop3A_348 = arith.index_cast %parallel_loop3A_259 : i32 to index
        %parallel_loop3A_349 = tpu.vector_load %arg7[%parallel_loop3A_344, %parallel_loop3A_345, %parallel_loop3A_346, %parallel_loop3A_347, %parallel_loop3A_348] {strides = array<i32>} : memref<2x4x10x8x128xi32, #tpu.memory_space<vmem>>, vector<16xi32>,
        tpu.vector_store %arg7[%parallel_loop3A_344, %parallel_loop3A_345, %parallel_loop3A_346, %parallel_loop3A_347, %parallel_loop3A_348], %parallel_loop3A_340 {strides = array<i32>} : memref<2x4x10x8x128xi32, #tpu.memory_space<vmem>>, vector<16xi32>,
        %parallel_loop3A_350 = arith.constant 6 : i32
        %parallel_loop3A_351 = vector.broadcast %parallel_loop3A_350 : i32 to vector<16xi32>
        %parallel_loop3A_352 = arith.shrui %parallel_loop3A_216, %parallel_loop3A_351 : vector<16xi32>
        %parallel_loop3A_353 = arith.constant 1 : i32
        %parallel_loop3A_354 = vector.broadcast %parallel_loop3A_353 : i32 to vector<16xi32>
        %parallel_loop3A_355 = arith.andi %parallel_loop3A_352, %parallel_loop3A_354 : vector<16xi32>
        %parallel_loop3A_356 = arith.constant 1 : i32
        %parallel_loop3A_357 = arith.constant 0 : i32
        %parallel_loop3A_358 = arith.constant 6 : i32
        %parallel_loop3A_359 = arith.index_cast %parallel_loop3A_356 : i32 to index
        %parallel_loop3A_360 = arith.index_cast %parallel_loop3A_357 : i32 to index
        %parallel_loop3A_361 = arith.index_cast %parallel_loop3A_240 : i32 to index
        %parallel_loop3A_362 = arith.index_cast %parallel_loop3A_358 : i32 to index
        %parallel_loop3A_363 = arith.index_cast %parallel_loop3A_259 : i32 to index
        %parallel_loop3A_364 = tpu.vector_load %arg7[%parallel_loop3A_359, %parallel_loop3A_360, %parallel_loop3A_361, %parallel_loop3A_362, %parallel_loop3A_363] {strides = array<i32>} : memref<2x4x10x8x128xi32, #tpu.memory_space<vmem>>, vector<16xi32>,
        tpu.vector_store %arg7[%parallel_loop3A_359, %parallel_loop3A_360, %parallel_loop3A_361, %parallel_loop3A_362, %parallel_loop3A_363], %parallel_loop3A_355 {strides = array<i32>} : memref<2x4x10x8x128xi32, #tpu.memory_space<vmem>>, vector<16xi32>,
        %parallel_loop3A_365 = arith.constant 7 : i32
        %parallel_loop3A_366 = vector.broadcast %parallel_loop3A_365 : i32 to vector<16xi32>
        %parallel_loop3A_367 = arith.shrui %parallel_loop3A_216, %parallel_loop3A_366 : vector<16xi32>
        %parallel_loop3A_368 = arith.constant 1 : i32
        %parallel_loop3A_369 = vector.broadcast %parallel_loop3A_368 : i32 to vector<16xi32>
        %parallel_loop3A_370 = arith.andi %parallel_loop3A_367, %parallel_loop3A_369 : vector<16xi32>
        %parallel_loop3A_371 = arith.constant 1 : i32
        %parallel_loop3A_372 = arith.constant 0 : i32
        %parallel_loop3A_373 = arith.constant 7 : i32
        %parallel_loop3A_374 = arith.index_cast %parallel_loop3A_371 : i32 to index
        %parallel_loop3A_375 = arith.index_cast %parallel_loop3A_372 : i32 to index
        %parallel_loop3A_376 = arith.index_cast %parallel_loop3A_240 : i32 to index
        %parallel_loop3A_377 = arith.index_cast %parallel_loop3A_373 : i32 to index
        %parallel_loop3A_378 = arith.index_cast %parallel_loop3A_259 : i32 to index
        %parallel_loop3A_379 = tpu.vector_load %arg7[%parallel_loop3A_374, %parallel_loop3A_375, %parallel_loop3A_376, %parallel_loop3A_377, %parallel_loop3A_378] {strides = array<i32>} : memref<2x4x10x8x128xi32, #tpu.memory_space<vmem>>, vector<16xi32>,
        tpu.vector_store %arg7[%parallel_loop3A_374, %parallel_loop3A_375, %parallel_loop3A_376, %parallel_loop3A_377, %parallel_loop3A_378], %parallel_loop3A_370 {strides = array<i32>} : memref<2x4x10x8x128xi32, #tpu.memory_space<vmem>>, vector<16xi32>,
        %parallel_loop3A_380 = arith.constant 8 : i32
        %parallel_loop3A_381 = vector.broadcast %parallel_loop3A_380 : i32 to vector<16xi32>
        %parallel_loop3A_382 = arith.shrui %parallel_loop3A_216, %parallel_loop3A_381 : vector<16xi32>
        %parallel_loop3A_383 = arith.constant 1 : i32
        %parallel_loop3A_384 = vector.broadcast %parallel_loop3A_383 : i32 to vector<16xi32>
        %parallel_loop3A_385 = arith.andi %parallel_loop3A_382, %parallel_loop3A_384 : vector<16xi32>
        %parallel_loop3A_386 = arith.constant 1 : i32
        %parallel_loop3A_387 = arith.constant 1 : i32
        %parallel_loop3A_388 = arith.constant 0 : i32
        %parallel_loop3A_389 = arith.index_cast %parallel_loop3A_386 : i32 to index
        %parallel_loop3A_390 = arith.index_cast %parallel_loop3A_387 : i32 to index
        %parallel_loop3A_391 = arith.index_cast %parallel_loop3A_240 : i32 to index
        %parallel_loop3A_392 = arith.index_cast %parallel_loop3A_388 : i32 to index
        %parallel_loop3A_393 = arith.index_cast %parallel_loop3A_259 : i32 to index
        %parallel_loop3A_394 = tpu.vector_load %arg7[%parallel_loop3A_389, %parallel_loop3A_390, %parallel_loop3A_391, %parallel_loop3A_392, %parallel_loop3A_393] {strides = array<i32>} : memref<2x4x10x8x128xi32, #tpu.memory_space<vmem>>, vector<16xi32>,
        tpu.vector_store %arg7[%parallel_loop3A_389, %parallel_loop3A_390, %parallel_loop3A_391, %parallel_loop3A_392, %parallel_loop3A_393], %parallel_loop3A_385 {strides = array<i32>} : memref<2x4x10x8x128xi32, #tpu.memory_space<vmem>>, vector<16xi32>,
        %parallel_loop3A_395 = arith.constant 9 : i32
        %parallel_loop3A_396 = vector.broadcast %parallel_loop3A_395 : i32 to vector<16xi32>
        %parallel_loop3A_397 = arith.shrui %parallel_loop3A_216, %parallel_loop3A_396 : vector<16xi32>
        %parallel_loop3A_398 = arith.constant 1 : i32
        %parallel_loop3A_399 = vector.broadcast %parallel_loop3A_398 : i32 to vector<16xi32>
        %parallel_loop3A_400 = arith.andi %parallel_loop3A_397, %parallel_loop3A_399 : vector<16xi32>
        %parallel_loop3A_401 = arith.constant 1 : i32
        %parallel_loop3A_402 = arith.constant 1 : i32
        %parallel_loop3A_403 = arith.constant 1 : i32
        %parallel_loop3A_404 = arith.index_cast %parallel_loop3A_401 : i32 to index
        %parallel_loop3A_405 = arith.index_cast %parallel_loop3A_402 : i32 to index
        %parallel_loop3A_406 = arith.index_cast %parallel_loop3A_240 : i32 to index
        %parallel_loop3A_407 = arith.index_cast %parallel_loop3A_403 : i32 to index
        %parallel_loop3A_408 = arith.index_cast %parallel_loop3A_259 : i32 to index
        %parallel_loop3A_409 = tpu.vector_load %arg7[%parallel_loop3A_404, %parallel_loop3A_405, %parallel_loop3A_406, %parallel_loop3A_407, %parallel_loop3A_408] {strides = array<i32>} : memref<2x4x10x8x128xi32, #tpu.memory_space<vmem>>, vector<16xi32>,
        tpu.vector_store %arg7[%parallel_loop3A_404, %parallel_loop3A_405, %parallel_loop3A_406, %parallel_loop3A_407, %parallel_loop3A_408], %parallel_loop3A_400 {strides = array<i32>} : memref<2x4x10x8x128xi32, #tpu.memory_space<vmem>>, vector<16xi32>,
        %parallel_loop3A_410 = arith.constant 10 : i32
        %parallel_loop3A_411 = vector.broadcast %parallel_loop3A_410 : i32 to vector<16xi32>
        %parallel_loop3A_412 = arith.shrui %parallel_loop3A_216, %parallel_loop3A_411 : vector<16xi32>
        %parallel_loop3A_413 = arith.constant 1 : i32
        %parallel_loop3A_414 = vector.broadcast %parallel_loop3A_413 : i32 to vector<16xi32>
        %parallel_loop3A_415 = arith.andi %parallel_loop3A_412, %parallel_loop3A_414 : vector<16xi32>
        %parallel_loop3A_416 = arith.constant 1 : i32
        %parallel_loop3A_417 = arith.constant 1 : i32
        %parallel_loop3A_418 = arith.constant 2 : i32
        %parallel_loop3A_419 = arith.index_cast %parallel_loop3A_416 : i32 to index
        %parallel_loop3A_420 = arith.index_cast %parallel_loop3A_417 : i32 to index
        %parallel_loop3A_421 = arith.index_cast %parallel_loop3A_240 : i32 to index
        %parallel_loop3A_422 = arith.index_cast %parallel_loop3A_418 : i32 to index
        %parallel_loop3A_423 = arith.index_cast %parallel_loop3A_259 : i32 to index
        %parallel_loop3A_424 = tpu.vector_load %arg7[%parallel_loop3A_419, %parallel_loop3A_420, %parallel_loop3A_421, %parallel_loop3A_422, %parallel_loop3A_423] {strides = array<i32>} : memref<2x4x10x8x128xi32, #tpu.memory_space<vmem>>, vector<16xi32>,
        tpu.vector_store %arg7[%parallel_loop3A_419, %parallel_loop3A_420, %parallel_loop3A_421, %parallel_loop3A_422, %parallel_loop3A_423], %parallel_loop3A_415 {strides = array<i32>} : memref<2x4x10x8x128xi32, #tpu.memory_space<vmem>>, vector<16xi32>,
        %parallel_loop3A_425 = arith.constant 11 : i32
        %parallel_loop3A_426 = vector.broadcast %parallel_loop3A_425 : i32 to vector<16xi32>
        %parallel_loop3A_427 = arith.shrui %parallel_loop3A_216, %parallel_loop3A_426 : vector<16xi32>
        %parallel_loop3A_428 = arith.constant 1 : i32
        %parallel_loop3A_429 = vector.broadcast %parallel_loop3A_428 : i32 to vector<16xi32>
        %parallel_loop3A_430 = arith.andi %parallel_loop3A_427, %parallel_loop3A_429 : vector<16xi32>
        %parallel_loop3A_431 = arith.constant 1 : i32
        %parallel_loop3A_432 = arith.constant 1 : i32
        %parallel_loop3A_433 = arith.constant 3 : i32
        %parallel_loop3A_434 = arith.index_cast %parallel_loop3A_431 : i32 to index
        %parallel_loop3A_435 = arith.index_cast %parallel_loop3A_432 : i32 to index
        %parallel_loop3A_436 = arith.index_cast %parallel_loop3A_240 : i32 to index
        %parallel_loop3A_437 = arith.index_cast %parallel_loop3A_433 : i32 to index
        %parallel_loop3A_438 = arith.index_cast %parallel_loop3A_259 : i32 to index
        %parallel_loop3A_439 = tpu.vector_load %arg7[%parallel_loop3A_434, %parallel_loop3A_435, %parallel_loop3A_436, %parallel_loop3A_437, %parallel_loop3A_438] {strides = array<i32>} : memref<2x4x10x8x128xi32, #tpu.memory_space<vmem>>, vector<16xi32>,
        tpu.vector_store %arg7[%parallel_loop3A_434, %parallel_loop3A_435, %parallel_loop3A_436, %parallel_loop3A_437, %parallel_loop3A_438], %parallel_loop3A_430 {strides = array<i32>} : memref<2x4x10x8x128xi32, #tpu.memory_space<vmem>>, vector<16xi32>,
        %parallel_loop3A_440 = arith.constant 12 : i32
        %parallel_loop3A_441 = vector.broadcast %parallel_loop3A_440 : i32 to vector<16xi32>
        %parallel_loop3A_442 = arith.shrui %parallel_loop3A_216, %parallel_loop3A_441 : vector<16xi32>
        %parallel_loop3A_443 = arith.constant 1 : i32
        %parallel_loop3A_444 = vector.broadcast %parallel_loop3A_443 : i32 to vector<16xi32>
        %parallel_loop3A_445 = arith.andi %parallel_loop3A_442, %parallel_loop3A_444 : vector<16xi32>
        %parallel_loop3A_446 = arith.constant 1 : i32
        %parallel_loop3A_447 = arith.constant 1 : i32
        %parallel_loop3A_448 = arith.constant 4 : i32
        %parallel_loop3A_449 = arith.index_cast %parallel_loop3A_446 : i32 to index
        %parallel_loop3A_450 = arith.index_cast %parallel_loop3A_447 : i32 to index
        %parallel_loop3A_451 = arith.index_cast %parallel_loop3A_240 : i32 to index
        %parallel_loop3A_452 = arith.index_cast %parallel_loop3A_448 : i32 to index
        %parallel_loop3A_453 = arith.index_cast %parallel_loop3A_259 : i32 to index
        %parallel_loop3A_454 = tpu.vector_load %arg7[%parallel_loop3A_449, %parallel_loop3A_450, %parallel_loop3A_451, %parallel_loop3A_452, %parallel_loop3A_453] {strides = array<i32>} : memref<2x4x10x8x128xi32, #tpu.memory_space<vmem>>, vector<16xi32>,
        tpu.vector_store %arg7[%parallel_loop3A_449, %parallel_loop3A_450, %parallel_loop3A_451, %parallel_loop3A_452, %parallel_loop3A_453], %parallel_loop3A_445 {strides = array<i32>} : memref<2x4x10x8x128xi32, #tpu.memory_space<vmem>>, vector<16xi32>,
        %parallel_loop3A_455 = arith.constant 13 : i32
        %parallel_loop3A_456 = vector.broadcast %parallel_loop3A_455 : i32 to vector<16xi32>
        %parallel_loop3A_457 = arith.shrui %parallel_loop3A_216, %parallel_loop3A_456 : vector<16xi32>
        %parallel_loop3A_458 = arith.constant 1 : i32
        %parallel_loop3A_459 = vector.broadcast %parallel_loop3A_458 : i32 to vector<16xi32>
        %parallel_loop3A_460 = arith.andi %parallel_loop3A_457, %parallel_loop3A_459 : vector<16xi32>
        %parallel_loop3A_461 = arith.constant 1 : i32
        %parallel_loop3A_462 = arith.constant 1 : i32
        %parallel_loop3A_463 = arith.constant 5 : i32
        %parallel_loop3A_464 = arith.index_cast %parallel_loop3A_461 : i32 to index
        %parallel_loop3A_465 = arith.index_cast %parallel_loop3A_462 : i32 to index
        %parallel_loop3A_466 = arith.index_cast %parallel_loop3A_240 : i32 to index
        %parallel_loop3A_467 = arith.index_cast %parallel_loop3A_463 : i32 to index
        %parallel_loop3A_468 = arith.index_cast %parallel_loop3A_259 : i32 to index
        %parallel_loop3A_469 = tpu.vector_load %arg7[%parallel_loop3A_464, %parallel_loop3A_465, %parallel_loop3A_466, %parallel_loop3A_467, %parallel_loop3A_468] {strides = array<i32>} : memref<2x4x10x8x128xi32, #tpu.memory_space<vmem>>, vector<16xi32>,
        tpu.vector_store %arg7[%parallel_loop3A_464, %parallel_loop3A_465, %parallel_loop3A_466, %parallel_loop3A_467, %parallel_loop3A_468], %parallel_loop3A_460 {strides = array<i32>} : memref<2x4x10x8x128xi32, #tpu.memory_space<vmem>>, vector<16xi32>,
        %parallel_loop3A_470 = arith.constant 14 : i32
        %parallel_loop3A_471 = vector.broadcast %parallel_loop3A_470 : i32 to vector<16xi32>
        %parallel_loop3A_472 = arith.shrui %parallel_loop3A_216, %parallel_loop3A_471 : vector<16xi32>
        %parallel_loop3A_473 = arith.constant 1 : i32
        %parallel_loop3A_474 = vector.broadcast %parallel_loop3A_473 : i32 to vector<16xi32>
        %parallel_loop3A_475 = arith.andi %parallel_loop3A_472, %parallel_loop3A_474 : vector<16xi32>
        %parallel_loop3A_476 = arith.constant 1 : i32
        %parallel_loop3A_477 = arith.constant 1 : i32
        %parallel_loop3A_478 = arith.constant 6 : i32
        %parallel_loop3A_479 = arith.index_cast %parallel_loop3A_476 : i32 to index
        %parallel_loop3A_480 = arith.index_cast %parallel_loop3A_477 : i32 to index
        %parallel_loop3A_481 = arith.index_cast %parallel_loop3A_240 : i32 to index
        %parallel_loop3A_482 = arith.index_cast %parallel_loop3A_478 : i32 to index
        %parallel_loop3A_483 = arith.index_cast %parallel_loop3A_259 : i32 to index
        %parallel_loop3A_484 = tpu.vector_load %arg7[%parallel_loop3A_479, %parallel_loop3A_480, %parallel_loop3A_481, %parallel_loop3A_482, %parallel_loop3A_483] {strides = array<i32>} : memref<2x4x10x8x128xi32, #tpu.memory_space<vmem>>, vector<16xi32>,
        tpu.vector_store %arg7[%parallel_loop3A_479, %parallel_loop3A_480, %parallel_loop3A_481, %parallel_loop3A_482, %parallel_loop3A_483], %parallel_loop3A_475 {strides = array<i32>} : memref<2x4x10x8x128xi32, #tpu.memory_space<vmem>>, vector<16xi32>,
        %parallel_loop3A_485 = arith.constant 15 : i32
        %parallel_loop3A_486 = vector.broadcast %parallel_loop3A_485 : i32 to vector<16xi32>
        %parallel_loop3A_487 = arith.shrui %parallel_loop3A_216, %parallel_loop3A_486 : vector<16xi32>
        %parallel_loop3A_488 = arith.constant 1 : i32
        %parallel_loop3A_489 = vector.broadcast %parallel_loop3A_488 : i32 to vector<16xi32>
        %parallel_loop3A_490 = arith.andi %parallel_loop3A_487, %parallel_loop3A_489 : vector<16xi32>
        %parallel_loop3A_491 = arith.constant 1 : i32
        %parallel_loop3A_492 = arith.constant 1 : i32
        %parallel_loop3A_493 = arith.constant 7 : i32
        %parallel_loop3A_494 = arith.index_cast %parallel_loop3A_491 : i32 to index
        %parallel_loop3A_495 = arith.index_cast %parallel_loop3A_492 : i32 to index
        %parallel_loop3A_496 = arith.index_cast %parallel_loop3A_240 : i32 to index
        %parallel_loop3A_497 = arith.index_cast %parallel_loop3A_493 : i32 to index
        %parallel_loop3A_498 = arith.index_cast %parallel_loop3A_259 : i32 to index
        %parallel_loop3A_499 = tpu.vector_load %arg7[%parallel_loop3A_494, %parallel_loop3A_495, %parallel_loop3A_496, %parallel_loop3A_497, %parallel_loop3A_498] {strides = array<i32>} : memref<2x4x10x8x128xi32, #tpu.memory_space<vmem>>, vector<16xi32>,
        tpu.vector_store %arg7[%parallel_loop3A_494, %parallel_loop3A_495, %parallel_loop3A_496, %parallel_loop3A_497, %parallel_loop3A_498], %parallel_loop3A_490 {strides = array<i32>} : memref<2x4x10x8x128xi32, #tpu.memory_space<vmem>>, vector<16xi32>,
        %parallel_loop3A_500 = arith.constant 16 : i32
        %parallel_loop3A_501 = vector.broadcast %parallel_loop3A_500 : i32 to vector<16xi32>
        %parallel_loop3A_502 = arith.shrui %parallel_loop3A_216, %parallel_loop3A_501 : vector<16xi32>
        %parallel_loop3A_503 = arith.constant 1 : i32
        %parallel_loop3A_504 = vector.broadcast %parallel_loop3A_503 : i32 to vector<16xi32>
        %parallel_loop3A_505 = arith.andi %parallel_loop3A_502, %parallel_loop3A_504 : vector<16xi32>
        %parallel_loop3A_506 = arith.constant 1 : i32
        %parallel_loop3A_507 = arith.constant 2 : i32
        %parallel_loop3A_508 = arith.constant 0 : i32
        %parallel_loop3A_509 = arith.index_cast %parallel_loop3A_506 : i32 to index
        %parallel_loop3A_510 = arith.index_cast %parallel_loop3A_507 : i32 to index
        %parallel_loop3A_511 = arith.index_cast %parallel_loop3A_240 : i32 to index
        %parallel_loop3A_512 = arith.index_cast %parallel_loop3A_508 : i32 to index
        %parallel_loop3A_513 = arith.index_cast %parallel_loop3A_259 : i32 to index
        %parallel_loop3A_514 = tpu.vector_load %arg7[%parallel_loop3A_509, %parallel_loop3A_510, %parallel_loop3A_511, %parallel_loop3A_512, %parallel_loop3A_513] {strides = array<i32>} : memref<2x4x10x8x128xi32, #tpu.memory_space<vmem>>, vector<16xi32>,
        tpu.vector_store %arg7[%parallel_loop3A_509, %parallel_loop3A_510, %parallel_loop3A_511, %parallel_loop3A_512, %parallel_loop3A_513], %parallel_loop3A_505 {strides = array<i32>} : memref<2x4x10x8x128xi32, #tpu.memory_space<vmem>>, vector<16xi32>,
        %parallel_loop3A_515 = arith.constant 17 : i32
        %parallel_loop3A_516 = vector.broadcast %parallel_loop3A_515 : i32 to vector<16xi32>
        %parallel_loop3A_517 = arith.shrui %parallel_loop3A_216, %parallel_loop3A_516 : vector<16xi32>
        %parallel_loop3A_518 = arith.constant 1 : i32
        %parallel_loop3A_519 = vector.broadcast %parallel_loop3A_518 : i32 to vector<16xi32>
        %parallel_loop3A_520 = arith.andi %parallel_loop3A_517, %parallel_loop3A_519 : vector<16xi32>
        %parallel_loop3A_521 = arith.constant 1 : i32
        %parallel_loop3A_522 = arith.constant 2 : i32
        %parallel_loop3A_523 = arith.constant 1 : i32
        %parallel_loop3A_524 = arith.index_cast %parallel_loop3A_521 : i32 to index
        %parallel_loop3A_525 = arith.index_cast %parallel_loop3A_522 : i32 to index
        %parallel_loop3A_526 = arith.index_cast %parallel_loop3A_240 : i32 to index
        %parallel_loop3A_527 = arith.index_cast %parallel_loop3A_523 : i32 to index
        %parallel_loop3A_528 = arith.index_cast %parallel_loop3A_259 : i32 to index
        %parallel_loop3A_529 = tpu.vector_load %arg7[%parallel_loop3A_524, %parallel_loop3A_525, %parallel_loop3A_526, %parallel_loop3A_527, %parallel_loop3A_528] {strides = array<i32>} : memref<2x4x10x8x128xi32, #tpu.memory_space<vmem>>, vector<16xi32>,
        tpu.vector_store %arg7[%parallel_loop3A_524, %parallel_loop3A_525, %parallel_loop3A_526, %parallel_loop3A_527, %parallel_loop3A_528], %parallel_loop3A_520 {strides = array<i32>} : memref<2x4x10x8x128xi32, #tpu.memory_space<vmem>>, vector<16xi32>,
        %parallel_loop3A_530 = arith.constant 18 : i32
        %parallel_loop3A_531 = vector.broadcast %parallel_loop3A_530 : i32 to vector<16xi32>
        %parallel_loop3A_532 = arith.shrui %parallel_loop3A_216, %parallel_loop3A_531 : vector<16xi32>
        %parallel_loop3A_533 = arith.constant 1 : i32
        %parallel_loop3A_534 = vector.broadcast %parallel_loop3A_533 : i32 to vector<16xi32>
        %parallel_loop3A_535 = arith.andi %parallel_loop3A_532, %parallel_loop3A_534 : vector<16xi32>
        %parallel_loop3A_536 = arith.constant 1 : i32
        %parallel_loop3A_537 = arith.constant 2 : i32
        %parallel_loop3A_538 = arith.constant 2 : i32
        %parallel_loop3A_539 = arith.index_cast %parallel_loop3A_536 : i32 to index
        %parallel_loop3A_540 = arith.index_cast %parallel_loop3A_537 : i32 to index
        %parallel_loop3A_541 = arith.index_cast %parallel_loop3A_240 : i32 to index
        %parallel_loop3A_542 = arith.index_cast %parallel_loop3A_538 : i32 to index
        %parallel_loop3A_543 = arith.index_cast %parallel_loop3A_259 : i32 to index
        %parallel_loop3A_544 = tpu.vector_load %arg7[%parallel_loop3A_539, %parallel_loop3A_540, %parallel_loop3A_541, %parallel_loop3A_542, %parallel_loop3A_543] {strides = array<i32>} : memref<2x4x10x8x128xi32, #tpu.memory_space<vmem>>, vector<16xi32>,
        tpu.vector_store %arg7[%parallel_loop3A_539, %parallel_loop3A_540, %parallel_loop3A_541, %parallel_loop3A_542, %parallel_loop3A_543], %parallel_loop3A_535 {strides = array<i32>} : memref<2x4x10x8x128xi32, #tpu.memory_space<vmem>>, vector<16xi32>,
        %parallel_loop3A_545 = arith.constant 19 : i32
        %parallel_loop3A_546 = vector.broadcast %parallel_loop3A_545 : i32 to vector<16xi32>
        %parallel_loop3A_547 = arith.shrui %parallel_loop3A_216, %parallel_loop3A_546 : vector<16xi32>
        %parallel_loop3A_548 = arith.constant 1 : i32
        %parallel_loop3A_549 = vector.broadcast %parallel_loop3A_548 : i32 to vector<16xi32>
        %parallel_loop3A_550 = arith.andi %parallel_loop3A_547, %parallel_loop3A_549 : vector<16xi32>
        %parallel_loop3A_551 = arith.constant 1 : i32
        %parallel_loop3A_552 = arith.constant 2 : i32
        %parallel_loop3A_553 = arith.constant 3 : i32
        %parallel_loop3A_554 = arith.index_cast %parallel_loop3A_551 : i32 to index
        %parallel_loop3A_555 = arith.index_cast %parallel_loop3A_552 : i32 to index
        %parallel_loop3A_556 = arith.index_cast %parallel_loop3A_240 : i32 to index
        %parallel_loop3A_557 = arith.index_cast %parallel_loop3A_553 : i32 to index
        %parallel_loop3A_558 = arith.index_cast %parallel_loop3A_259 : i32 to index
        %parallel_loop3A_559 = tpu.vector_load %arg7[%parallel_loop3A_554, %parallel_loop3A_555, %parallel_loop3A_556, %parallel_loop3A_557, %parallel_loop3A_558] {strides = array<i32>} : memref<2x4x10x8x128xi32, #tpu.memory_space<vmem>>, vector<16xi32>,
        tpu.vector_store %arg7[%parallel_loop3A_554, %parallel_loop3A_555, %parallel_loop3A_556, %parallel_loop3A_557, %parallel_loop3A_558], %parallel_loop3A_550 {strides = array<i32>} : memref<2x4x10x8x128xi32, #tpu.memory_space<vmem>>, vector<16xi32>,
        %parallel_loop3A_560 = arith.constant 20 : i32
        %parallel_loop3A_561 = vector.broadcast %parallel_loop3A_560 : i32 to vector<16xi32>
        %parallel_loop3A_562 = arith.shrui %parallel_loop3A_216, %parallel_loop3A_561 : vector<16xi32>
        %parallel_loop3A_563 = arith.constant 1 : i32
        %parallel_loop3A_564 = vector.broadcast %parallel_loop3A_563 : i32 to vector<16xi32>
        %parallel_loop3A_565 = arith.andi %parallel_loop3A_562, %parallel_loop3A_564 : vector<16xi32>
        %parallel_loop3A_566 = arith.constant 1 : i32
        %parallel_loop3A_567 = arith.constant 2 : i32
        %parallel_loop3A_568 = arith.constant 4 : i32
        %parallel_loop3A_569 = arith.index_cast %parallel_loop3A_566 : i32 to index
        %parallel_loop3A_570 = arith.index_cast %parallel_loop3A_567 : i32 to index
        %parallel_loop3A_571 = arith.index_cast %parallel_loop3A_240 : i32 to index
        %parallel_loop3A_572 = arith.index_cast %parallel_loop3A_568 : i32 to index
        %parallel_loop3A_573 = arith.index_cast %parallel_loop3A_259 : i32 to index
        %parallel_loop3A_574 = tpu.vector_load %arg7[%parallel_loop3A_569, %parallel_loop3A_570, %parallel_loop3A_571, %parallel_loop3A_572, %parallel_loop3A_573] {strides = array<i32>} : memref<2x4x10x8x128xi32, #tpu.memory_space<vmem>>, vector<16xi32>,
        tpu.vector_store %arg7[%parallel_loop3A_569, %parallel_loop3A_570, %parallel_loop3A_571, %parallel_loop3A_572, %parallel_loop3A_573], %parallel_loop3A_565 {strides = array<i32>} : memref<2x4x10x8x128xi32, #tpu.memory_space<vmem>>, vector<16xi32>,
        %parallel_loop3A_575 = arith.constant 21 : i32
        %parallel_loop3A_576 = vector.broadcast %parallel_loop3A_575 : i32 to vector<16xi32>
        %parallel_loop3A_577 = arith.shrui %parallel_loop3A_216, %parallel_loop3A_576 : vector<16xi32>
        %parallel_loop3A_578 = arith.constant 1 : i32
        %parallel_loop3A_579 = vector.broadcast %parallel_loop3A_578 : i32 to vector<16xi32>
        %parallel_loop3A_580 = arith.andi %parallel_loop3A_577, %parallel_loop3A_579 : vector<16xi32>
        %parallel_loop3A_581 = arith.constant 1 : i32
        %parallel_loop3A_582 = arith.constant 2 : i32
        %parallel_loop3A_583 = arith.constant 5 : i32
        %parallel_loop3A_584 = arith.index_cast %parallel_loop3A_581 : i32 to index
        %parallel_loop3A_585 = arith.index_cast %parallel_loop3A_582 : i32 to index
        %parallel_loop3A_586 = arith.index_cast %parallel_loop3A_240 : i32 to index
        %parallel_loop3A_587 = arith.index_cast %parallel_loop3A_583 : i32 to index
        %parallel_loop3A_588 = arith.index_cast %parallel_loop3A_259 : i32 to index
        %parallel_loop3A_589 = tpu.vector_load %arg7[%parallel_loop3A_584, %parallel_loop3A_585, %parallel_loop3A_586, %parallel_loop3A_587, %parallel_loop3A_588] {strides = array<i32>} : memref<2x4x10x8x128xi32, #tpu.memory_space<vmem>>, vector<16xi32>,
        tpu.vector_store %arg7[%parallel_loop3A_584, %parallel_loop3A_585, %parallel_loop3A_586, %parallel_loop3A_587, %parallel_loop3A_588], %parallel_loop3A_580 {strides = array<i32>} : memref<2x4x10x8x128xi32, #tpu.memory_space<vmem>>, vector<16xi32>,
        %parallel_loop3A_590 = arith.constant 22 : i32
        %parallel_loop3A_591 = vector.broadcast %parallel_loop3A_590 : i32 to vector<16xi32>
        %parallel_loop3A_592 = arith.shrui %parallel_loop3A_216, %parallel_loop3A_591 : vector<16xi32>
        %parallel_loop3A_593 = arith.constant 1 : i32
        %parallel_loop3A_594 = vector.broadcast %parallel_loop3A_593 : i32 to vector<16xi32>
        %parallel_loop3A_595 = arith.andi %parallel_loop3A_592, %parallel_loop3A_594 : vector<16xi32>
        %parallel_loop3A_596 = arith.constant 1 : i32
        %parallel_loop3A_597 = arith.constant 2 : i32
        %parallel_loop3A_598 = arith.constant 6 : i32
        %parallel_loop3A_599 = arith.index_cast %parallel_loop3A_596 : i32 to index
        %parallel_loop3A_600 = arith.index_cast %parallel_loop3A_597 : i32 to index
        %parallel_loop3A_601 = arith.index_cast %parallel_loop3A_240 : i32 to index
        %parallel_loop3A_602 = arith.index_cast %parallel_loop3A_598 : i32 to index
        %parallel_loop3A_603 = arith.index_cast %parallel_loop3A_259 : i32 to index
        %parallel_loop3A_604 = tpu.vector_load %arg7[%parallel_loop3A_599, %parallel_loop3A_600, %parallel_loop3A_601, %parallel_loop3A_602, %parallel_loop3A_603] {strides = array<i32>} : memref<2x4x10x8x128xi32, #tpu.memory_space<vmem>>, vector<16xi32>,
        tpu.vector_store %arg7[%parallel_loop3A_599, %parallel_loop3A_600, %parallel_loop3A_601, %parallel_loop3A_602, %parallel_loop3A_603], %parallel_loop3A_595 {strides = array<i32>} : memref<2x4x10x8x128xi32, #tpu.memory_space<vmem>>, vector<16xi32>,
        %parallel_loop3A_605 = arith.constant 23 : i32
        %parallel_loop3A_606 = vector.broadcast %parallel_loop3A_605 : i32 to vector<16xi32>
        %parallel_loop3A_607 = arith.shrui %parallel_loop3A_216, %parallel_loop3A_606 : vector<16xi32>
        %parallel_loop3A_608 = arith.constant 1 : i32
        %parallel_loop3A_609 = vector.broadcast %parallel_loop3A_608 : i32 to vector<16xi32>
        %parallel_loop3A_610 = arith.andi %parallel_loop3A_607, %parallel_loop3A_609 : vector<16xi32>
        %parallel_loop3A_611 = arith.constant 1 : i32
        %parallel_loop3A_612 = arith.constant 2 : i32
        %parallel_loop3A_613 = arith.constant 7 : i32
        %parallel_loop3A_614 = arith.index_cast %parallel_loop3A_611 : i32 to index
        %parallel_loop3A_615 = arith.index_cast %parallel_loop3A_612 : i32 to index
        %parallel_loop3A_616 = arith.index_cast %parallel_loop3A_240 : i32 to index
        %parallel_loop3A_617 = arith.index_cast %parallel_loop3A_613 : i32 to index
        %parallel_loop3A_618 = arith.index_cast %parallel_loop3A_259 : i32 to index
        %parallel_loop3A_619 = tpu.vector_load %arg7[%parallel_loop3A_614, %parallel_loop3A_615, %parallel_loop3A_616, %parallel_loop3A_617, %parallel_loop3A_618] {strides = array<i32>} : memref<2x4x10x8x128xi32, #tpu.memory_space<vmem>>, vector<16xi32>,
        tpu.vector_store %arg7[%parallel_loop3A_614, %parallel_loop3A_615, %parallel_loop3A_616, %parallel_loop3A_617, %parallel_loop3A_618], %parallel_loop3A_610 {strides = array<i32>} : memref<2x4x10x8x128xi32, #tpu.memory_space<vmem>>, vector<16xi32>,
        %parallel_loop3A_620 = arith.constant 24 : i32
        %parallel_loop3A_621 = vector.broadcast %parallel_loop3A_620 : i32 to vector<16xi32>
        %parallel_loop3A_622 = arith.shrui %parallel_loop3A_216, %parallel_loop3A_621 : vector<16xi32>
        %parallel_loop3A_623 = arith.constant 1 : i32
        %parallel_loop3A_624 = vector.broadcast %parallel_loop3A_623 : i32 to vector<16xi32>
        %parallel_loop3A_625 = arith.andi %parallel_loop3A_622, %parallel_loop3A_624 : vector<16xi32>
        %parallel_loop3A_626 = arith.constant 1 : i32
        %parallel_loop3A_627 = arith.constant 3 : i32
        %parallel_loop3A_628 = arith.constant 0 : i32
        %parallel_loop3A_629 = arith.index_cast %parallel_loop3A_626 : i32 to index
        %parallel_loop3A_630 = arith.index_cast %parallel_loop3A_627 : i32 to index
        %parallel_loop3A_631 = arith.index_cast %parallel_loop3A_240 : i32 to index
        %parallel_loop3A_632 = arith.index_cast %parallel_loop3A_628 : i32 to index
        %parallel_loop3A_633 = arith.index_cast %parallel_loop3A_259 : i32 to index
        %parallel_loop3A_634 = tpu.vector_load %arg7[%parallel_loop3A_629, %parallel_loop3A_630, %parallel_loop3A_631, %parallel_loop3A_632, %parallel_loop3A_633] {strides = array<i32>} : memref<2x4x10x8x128xi32, #tpu.memory_space<vmem>>, vector<16xi32>,
        tpu.vector_store %arg7[%parallel_loop3A_629, %parallel_loop3A_630, %parallel_loop3A_631, %parallel_loop3A_632, %parallel_loop3A_633], %parallel_loop3A_625 {strides = array<i32>} : memref<2x4x10x8x128xi32, #tpu.memory_space<vmem>>, vector<16xi32>,
        %parallel_loop3A_635 = arith.constant 25 : i32
        %parallel_loop3A_636 = vector.broadcast %parallel_loop3A_635 : i32 to vector<16xi32>
        %parallel_loop3A_637 = arith.shrui %parallel_loop3A_216, %parallel_loop3A_636 : vector<16xi32>
        %parallel_loop3A_638 = arith.constant 1 : i32
        %parallel_loop3A_639 = vector.broadcast %parallel_loop3A_638 : i32 to vector<16xi32>
        %parallel_loop3A_640 = arith.andi %parallel_loop3A_637, %parallel_loop3A_639 : vector<16xi32>
        %parallel_loop3A_641 = arith.constant 1 : i32
        %parallel_loop3A_642 = arith.constant 3 : i32
        %parallel_loop3A_643 = arith.constant 1 : i32
        %parallel_loop3A_644 = arith.index_cast %parallel_loop3A_641 : i32 to index
        %parallel_loop3A_645 = arith.index_cast %parallel_loop3A_642 : i32 to index
        %parallel_loop3A_646 = arith.index_cast %parallel_loop3A_240 : i32 to index
        %parallel_loop3A_647 = arith.index_cast %parallel_loop3A_643 : i32 to index
        %parallel_loop3A_648 = arith.index_cast %parallel_loop3A_259 : i32 to index
        %parallel_loop3A_649 = tpu.vector_load %arg7[%parallel_loop3A_644, %parallel_loop3A_645, %parallel_loop3A_646, %parallel_loop3A_647, %parallel_loop3A_648] {strides = array<i32>} : memref<2x4x10x8x128xi32, #tpu.memory_space<vmem>>, vector<16xi32>,
        tpu.vector_store %arg7[%parallel_loop3A_644, %parallel_loop3A_645, %parallel_loop3A_646, %parallel_loop3A_647, %parallel_loop3A_648], %parallel_loop3A_640 {strides = array<i32>} : memref<2x4x10x8x128xi32, #tpu.memory_space<vmem>>, vector<16xi32>,
        %parallel_loop3A_650 = arith.constant 26 : i32
        %parallel_loop3A_651 = vector.broadcast %parallel_loop3A_650 : i32 to vector<16xi32>
        %parallel_loop3A_652 = arith.shrui %parallel_loop3A_216, %parallel_loop3A_651 : vector<16xi32>
        %parallel_loop3A_653 = arith.constant 1 : i32
        %parallel_loop3A_654 = vector.broadcast %parallel_loop3A_653 : i32 to vector<16xi32>
        %parallel_loop3A_655 = arith.andi %parallel_loop3A_652, %parallel_loop3A_654 : vector<16xi32>
        %parallel_loop3A_656 = arith.constant 1 : i32
        %parallel_loop3A_657 = arith.constant 3 : i32
        %parallel_loop3A_658 = arith.constant 2 : i32
        %parallel_loop3A_659 = arith.index_cast %parallel_loop3A_656 : i32 to index
        %parallel_loop3A_660 = arith.index_cast %parallel_loop3A_657 : i32 to index
        %parallel_loop3A_661 = arith.index_cast %parallel_loop3A_240 : i32 to index
        %parallel_loop3A_662 = arith.index_cast %parallel_loop3A_658 : i32 to index
        %parallel_loop3A_663 = arith.index_cast %parallel_loop3A_259 : i32 to index
        %parallel_loop3A_664 = tpu.vector_load %arg7[%parallel_loop3A_659, %parallel_loop3A_660, %parallel_loop3A_661, %parallel_loop3A_662, %parallel_loop3A_663] {strides = array<i32>} : memref<2x4x10x8x128xi32, #tpu.memory_space<vmem>>, vector<16xi32>,
        tpu.vector_store %arg7[%parallel_loop3A_659, %parallel_loop3A_660, %parallel_loop3A_661, %parallel_loop3A_662, %parallel_loop3A_663], %parallel_loop3A_655 {strides = array<i32>} : memref<2x4x10x8x128xi32, #tpu.memory_space<vmem>>, vector<16xi32>,
        %parallel_loop3A_665 = arith.constant 27 : i32
        %parallel_loop3A_666 = vector.broadcast %parallel_loop3A_665 : i32 to vector<16xi32>
        %parallel_loop3A_667 = arith.shrui %parallel_loop3A_216, %parallel_loop3A_666 : vector<16xi32>
        %parallel_loop3A_668 = arith.constant 1 : i32
        %parallel_loop3A_669 = vector.broadcast %parallel_loop3A_668 : i32 to vector<16xi32>
        %parallel_loop3A_670 = arith.andi %parallel_loop3A_667, %parallel_loop3A_669 : vector<16xi32>
        %parallel_loop3A_671 = arith.constant 1 : i32
        %parallel_loop3A_672 = arith.constant 3 : i32
        %parallel_loop3A_673 = arith.constant 3 : i32
        %parallel_loop3A_674 = arith.index_cast %parallel_loop3A_671 : i32 to index
        %parallel_loop3A_675 = arith.index_cast %parallel_loop3A_672 : i32 to index
        %parallel_loop3A_676 = arith.index_cast %parallel_loop3A_240 : i32 to index
        %parallel_loop3A_677 = arith.index_cast %parallel_loop3A_673 : i32 to index
        %parallel_loop3A_678 = arith.index_cast %parallel_loop3A_259 : i32 to index
        %parallel_loop3A_679 = tpu.vector_load %arg7[%parallel_loop3A_674, %parallel_loop3A_675, %parallel_loop3A_676, %parallel_loop3A_677, %parallel_loop3A_678] {strides = array<i32>} : memref<2x4x10x8x128xi32, #tpu.memory_space<vmem>>, vector<16xi32>,
        tpu.vector_store %arg7[%parallel_loop3A_674, %parallel_loop3A_675, %parallel_loop3A_676, %parallel_loop3A_677, %parallel_loop3A_678], %parallel_loop3A_670 {strides = array<i32>} : memref<2x4x10x8x128xi32, #tpu.memory_space<vmem>>, vector<16xi32>,
      } {sc.loop_unroll_factor = 2 : i64, sc.parallel_access}
      %mul3A_160 = arith.constant 10 : i32
      %mul3A_161 = arith.muli %add3A_151, %mul3A_160 : i32
      %add3A_162 = arith.addi %mul3A_4, %mul3A_161 : i32
      %multiple_of3A_163 = tpu.assume_multiple %add3A_162, 10 : i32
      %dma_start3A_164 = arith.constant 1 : i32
      %dma_start3A_165 = arith.constant 0 : i32
      %dma_start3A_166 = arith.constant 0 : i32
      %dma_start3A_167 = arith.constant 0 : i32
      %dma_start3A_168 = arith.constant 0 : i32
      %dma_start3A_169 = tpu.memref_slice %arg7[%dma_start3A_164, %dma_start3A_165, %dma_start3A_166, %dma_start3A_167, %dma_start3A_168] : memref<2x4x10x8x128xi32, #tpu.memory_space<vmem>> -> memref<1x3x10x8x128xi32, #tpu.memory_space<vmem>>
      %dma_start3A_170 = tpu.memref_squeeze %dma_start3A_169 : memref<1x3x10x8x128xi32, #tpu.memory_space<vmem>> -> memref<3x10x8x128xi32, #tpu.memory_space<vmem>>
      %dma_start3A_171 = arith.constant 0 : i32
      %dma_start3A_172 = arith.constant 0 : i32
      %dma_start3A_173 = arith.constant 0 : i32
      %dma_start3A_174 = tpu.memref_slice %arg4[%dma_start3A_171, %multiple_of3A_163, %dma_start3A_172, %dma_start3A_173] : memref<4x6400x8x128xi32, #tpu.memory_space<hbm>> -> memref<3x10x8x128xi32, #tpu.memory_space<hbm>>
      %dma_start3A_175 = arith.constant 0 : i32
      %dma_start3A_176 = arith.constant 0 : i32
      %dma_start3A_177 = arith.constant 0 : i32
      %dma_start3A_178 = tpu.memref_slice %arg4[%dma_start3A_175, %multiple_of3A_163, %dma_start3A_176, %dma_start3A_177] : memref<4x6400x8x128xi32, #tpu.memory_space<hbm>> -> memref<3x10x8x128xi32, #tpu.memory_space<hbm>>
      %dma_start3A_179 = arith.constant 0 : i32
      %dma_start3A_180 = arith.constant 0 : i32
      %dma_start3A_181 = arith.constant 0 : i32
      %dma_start3A_182 = arith.constant 0 : i32
      %dma_start3A_183 = tpu.memref_slice %arg7[%dma_start3A_164, %dma_start3A_179, %dma_start3A_180, %dma_start3A_181, %dma_start3A_182] : memref<2x4x10x8x128xi32, #tpu.memory_space<vmem>> -> memref<1x3x10x8x128xi32, #tpu.memory_space<vmem>>
      %dma_start3A_184 = tpu.memref_squeeze %dma_start3A_183 : memref<1x3x10x8x128xi32, #tpu.memory_space<vmem>> -> memref<3x10x8x128xi32, #tpu.memory_space<vmem>>
      tpu.enqueue_dma source(%dma_start3A_184 : memref<3x10x8x128xi32, #tpu.memory_space<vmem>>) target(%dma_start3A_178 : memref<3x10x8x128xi32, #tpu.memory_space<hbm>>) target_semaphore(%arg9 : memref<!tpu.dma_semaphore, #tpu.memory_space<semaphore_mem>>)
      %dma_start3A_185 = arith.constant 1 : i32
      %dma_start3A_186 = arith.constant 3 : i32
      %dma_start3A_187 = arith.constant 3 : i32
      %dma_start3A_188 = arith.constant 0 : i32
      %dma_start3A_189 = arith.constant 0 : i32
      %dma_start3A_190 = arith.constant 0 : i32
      %dma_start3A_191 = tpu.memref_slice %arg7[%dma_start3A_185, %dma_start3A_186, %dma_start3A_188, %dma_start3A_189, %dma_start3A_190] : memref<2x4x10x8x128xi32, #tpu.memory_space<vmem>> -> memref<1x1x10x4x128xi32, #tpu.memory_space<vmem>>
      %dma_start3A_192 = tpu.memref_squeeze %dma_start3A_191 : memref<1x1x10x4x128xi32, #tpu.memory_space<vmem>> -> memref<10x4x128xi32, #tpu.memory_space<vmem>>
      %dma_start3A_193 = arith.constant 0 : i32
      %dma_start3A_194 = arith.constant 0 : i32
      %dma_start3A_195 = tpu.memref_slice %arg4[%dma_start3A_187, %multiple_of3A_163, %dma_start3A_193, %dma_start3A_194] : memref<4x6400x8x128xi32, #tpu.memory_space<hbm>> -> memref<1x10x4x128xi32, #tpu.memory_space<hbm>>
      %dma_start3A_196 = tpu.memref_squeeze %dma_start3A_195 : memref<1x10x4x128xi32, #tpu.memory_space<hbm>> -> memref<10x4x128xi32, #tpu.memory_space<hbm>>
      %dma_start3A_197 = arith.constant 0 : i32
      %dma_start3A_198 = arith.constant 0 : i32
      %dma_start3A_199 = tpu.memref_slice %arg4[%dma_start3A_187, %multiple_of3A_163, %dma_start3A_197, %dma_start3A_198] : memref<4x6400x8x128xi32, #tpu.memory_space<hbm>> -> memref<1x10x4x128xi32, #tpu.memory_space<hbm>>
      %dma_start3A_200 = tpu.memref_squeeze %dma_start3A_199 : memref<1x10x4x128xi32, #tpu.memory_space<hbm>> -> memref<10x4x128xi32, #tpu.memory_space<hbm>>
      %dma_start3A_201 = arith.constant 0 : i32
      %dma_start3A_202 = arith.constant 0 : i32
      %dma_start3A_203 = arith.constant 0 : i32
      %dma_start3A_204 = tpu.memref_slice %arg7[%dma_start3A_185, %dma_start3A_186, %dma_start3A_201, %dma_start3A_202, %dma_start3A_203] : memref<2x4x10x8x128xi32, #tpu.memory_space<vmem>> -> memref<1x1x10x4x128xi32, #tpu.memory_space<vmem>>
      %dma_start3A_205 = tpu.memref_squeeze %dma_start3A_204 : memref<1x1x10x4x128xi32, #tpu.memory_space<vmem>> -> memref<10x4x128xi32, #tpu.memory_space<vmem>>
      tpu.enqueue_dma source(%dma_start3A_205 : memref<10x4x128xi32, #tpu.memory_space<vmem>>) target(%dma_start3A_200 : memref<10x4x128xi32, #tpu.memory_space<hbm>>) target_semaphore(%arg9 : memref<!tpu.dma_semaphore, #tpu.memory_space<semaphore_mem>>)
      %scan3A_206 = arith.constant 0 : i32
      scf.yield %scan3A_206 : i32
    }
    %scan3A_10 = arith.constant 10 : i32
    %dma_wait3A = arith.constant 0 : i32
    %dma_wait3A_11 = arith.constant 0 : i32
    %dma_wait3A_12 = arith.constant 0 : i32
    %dma_wait3A_13 = arith.constant 0 : i32
    %dma_wait3A_14 = arith.constant 0 : i32
    %dma_wait3A_15 = tpu.memref_slice %arg7[%dma_wait3A, %dma_wait3A_11, %dma_wait3A_12, %dma_wait3A_13, %dma_wait3A_14] : memref<2x4x10x8x128xi32, #tpu.memory_space<vmem>> -> memref<1x3x10x8x128xi32, #tpu.memory_space<vmem>>
    %dma_wait3A_16 = tpu.memref_squeeze %dma_wait3A_15 : memref<1x3x10x8x128xi32, #tpu.memory_space<vmem>> -> memref<3x10x8x128xi32, #tpu.memory_space<vmem>>
    %dma_wait3A_17 = arith.constant 0 : i32
    %dma_wait3A_18 = arith.constant 0 : i32
    %dma_wait3A_19 = arith.constant 0 : i32
    %dma_wait3A_20 = tpu.memref_slice %arg4[%dma_wait3A_17, %mul3A_4, %dma_wait3A_18, %dma_wait3A_19] : memref<4x6400x8x128xi32, #tpu.memory_space<hbm>> -> memref<3x10x8x128xi32, #tpu.memory_space<hbm>>
    %dma_wait3A_21 = arith.constant 0 : i32
    %dma_wait3A_22 = arith.constant 0 : i32
    %dma_wait3A_23 = arith.constant 0 : i32
    %dma_wait3A_24 = arith.constant 0 : i32
    %dma_wait3A_25 = tpu.memref_slice %arg7[%dma_wait3A, %dma_wait3A_21, %dma_wait3A_22, %dma_wait3A_23, %dma_wait3A_24] : memref<2x4x10x8x128xi32, #tpu.memory_space<vmem>> -> memref<1x3x10x8x128xi32, #tpu.memory_space<vmem>>
    %dma_wait3A_26 = tpu.memref_squeeze %dma_wait3A_25 : memref<1x3x10x8x128xi32, #tpu.memory_space<vmem>> -> memref<3x10x8x128xi32, #tpu.memory_space<vmem>>
    %dma_wait3A_27 = arith.constant 0 : i32
    %dma_wait3A_28 = arith.constant 0 : i32
    %dma_wait3A_29 = arith.constant 0 : i32
    %dma_wait3A_30 = tpu.memref_slice %arg4[%dma_wait3A_27, %mul3A_4, %dma_wait3A_28, %dma_wait3A_29] : memref<4x6400x8x128xi32, #tpu.memory_space<hbm>> -> memref<3x10x8x128xi32, #tpu.memory_space<hbm>>
    tpu.wait_dma2 semaphore(%arg8 : memref<!tpu.dma_semaphore, #tpu.memory_space<semaphore_mem>>) src(%dma_wait3A_30 : memref<3x10x8x128xi32, #tpu.memory_space<hbm>>) dst(%dma_wait3A_26 : memref<3x10x8x128xi32, #tpu.memory_space<vmem>>)
    %dma_wait3A_31 = arith.constant 3 : i32
    %dma_wait3A_32 = arith.constant 0 : i32
    %dma_wait3A_33 = arith.constant 3 : i32
    %dma_wait3A_34 = arith.constant 0 : i32
    %dma_wait3A_35 = arith.constant 0 : i32
    %dma_wait3A_36 = arith.constant 0 : i32
    %dma_wait3A_37 = tpu.memref_slice %arg7[%dma_wait3A_32, %dma_wait3A_33, %dma_wait3A_34, %dma_wait3A_35, %dma_wait3A_36] : memref<2x4x10x8x128xi32, #tpu.memory_space<vmem>> -> memref<1x1x10x4x128xi32, #tpu.memory_space<vmem>>
    %dma_wait3A_38 = tpu.memref_squeeze %dma_wait3A_37 : memref<1x1x10x4x128xi32, #tpu.memory_space<vmem>> -> memref<10x4x128xi32, #tpu.memory_space<vmem>>
    %dma_wait3A_39 = arith.constant 0 : i32
    %dma_wait3A_40 = arith.constant 0 : i32
    %dma_wait3A_41 = tpu.memref_slice %arg4[%dma_wait3A_31, %mul3A_4, %dma_wait3A_39, %dma_wait3A_40] : memref<4x6400x8x128xi32, #tpu.memory_space<hbm>> -> memref<1x10x4x128xi32, #tpu.memory_space<hbm>>
    %dma_wait3A_42 = tpu.memref_squeeze %dma_wait3A_41 : memref<1x10x4x128xi32, #tpu.memory_space<hbm>> -> memref<10x4x128xi32, #tpu.memory_space<hbm>>
    %dma_wait3A_43 = arith.constant 0 : i32
    %dma_wait3A_44 = arith.constant 0 : i32
    %dma_wait3A_45 = arith.constant 0 : i32
    %dma_wait3A_46 = tpu.memref_slice %arg7[%dma_wait3A_32, %dma_wait3A_33, %dma_wait3A_43, %dma_wait3A_44, %dma_wait3A_45] : memref<2x4x10x8x128xi32, #tpu.memory_space<vmem>> -> memref<1x1x10x4x128xi32, #tpu.memory_space<vmem>>
    %dma_wait3A_47 = tpu.memref_squeeze %dma_wait3A_46 : memref<1x1x10x4x128xi32, #tpu.memory_space<vmem>> -> memref<10x4x128xi32, #tpu.memory_space<vmem>>
    %dma_wait3A_48 = arith.constant 0 : i32
    %dma_wait3A_49 = arith.constant 0 : i32
    %dma_wait3A_50 = tpu.memref_slice %arg4[%dma_wait3A_31, %mul3A_4, %dma_wait3A_48, %dma_wait3A_49] : memref<4x6400x8x128xi32, #tpu.memory_space<hbm>> -> memref<1x10x4x128xi32, #tpu.memory_space<hbm>>
    %dma_wait3A_51 = tpu.memref_squeeze %dma_wait3A_50 : memref<1x10x4x128xi32, #tpu.memory_space<hbm>> -> memref<10x4x128xi32, #tpu.memory_space<hbm>>
    tpu.wait_dma2 semaphore(%arg8 : memref<!tpu.dma_semaphore, #tpu.memory_space<semaphore_mem>>) src(%dma_wait3A_51 : memref<10x4x128xi32, #tpu.memory_space<hbm>>) dst(%dma_wait3A_47 : memref<10x4x128xi32, #tpu.memory_space<vmem>>)
    %dma_wait3A_52 = arith.constant 1 : i32
    %dma_wait3A_53 = arith.constant 0 : i32
    %dma_wait3A_54 = arith.constant 0 : i32
    %dma_wait3A_55 = arith.constant 0 : i32
    %dma_wait3A_56 = arith.constant 0 : i32
    %dma_wait3A_57 = tpu.memref_slice %arg7[%dma_wait3A_52, %dma_wait3A_53, %dma_wait3A_54, %dma_wait3A_55, %dma_wait3A_56] : memref<2x4x10x8x128xi32, #tpu.memory_space<vmem>> -> memref<1x3x10x8x128xi32, #tpu.memory_space<vmem>>
    %dma_wait3A_58 = tpu.memref_squeeze %dma_wait3A_57 : memref<1x3x10x8x128xi32, #tpu.memory_space<vmem>> -> memref<3x10x8x128xi32, #tpu.memory_space<vmem>>
    %dma_wait3A_59 = arith.constant 0 : i32
    %dma_wait3A_60 = arith.constant 0 : i32
    %dma_wait3A_61 = arith.constant 0 : i32
    %dma_wait3A_62 = tpu.memref_slice %arg4[%dma_wait3A_59, %mul3A_4, %dma_wait3A_60, %dma_wait3A_61] : memref<4x6400x8x128xi32, #tpu.memory_space<hbm>> -> memref<3x10x8x128xi32, #tpu.memory_space<hbm>>
    %dma_wait3A_63 = arith.constant 0 : i32
    %dma_wait3A_64 = arith.constant 0 : i32
    %dma_wait3A_65 = arith.constant 0 : i32
    %dma_wait3A_66 = arith.constant 0 : i32
    %dma_wait3A_67 = tpu.memref_slice %arg7[%dma_wait3A_52, %dma_wait3A_63, %dma_wait3A_64, %dma_wait3A_65, %dma_wait3A_66] : memref<2x4x10x8x128xi32, #tpu.memory_space<vmem>> -> memref<1x3x10x8x128xi32, #tpu.memory_space<vmem>>
    %dma_wait3A_68 = tpu.memref_squeeze %dma_wait3A_67 : memref<1x3x10x8x128xi32, #tpu.memory_space<vmem>> -> memref<3x10x8x128xi32, #tpu.memory_space<vmem>>
    %dma_wait3A_69 = arith.constant 0 : i32
    %dma_wait3A_70 = arith.constant 0 : i32
    %dma_wait3A_71 = arith.constant 0 : i32
    %dma_wait3A_72 = tpu.memref_slice %arg4[%dma_wait3A_69, %mul3A_4, %dma_wait3A_70, %dma_wait3A_71] : memref<4x6400x8x128xi32, #tpu.memory_space<hbm>> -> memref<3x10x8x128xi32, #tpu.memory_space<hbm>>
    tpu.wait_dma2 semaphore(%arg9 : memref<!tpu.dma_semaphore, #tpu.memory_space<semaphore_mem>>) src(%dma_wait3A_72 : memref<3x10x8x128xi32, #tpu.memory_space<hbm>>) dst(%dma_wait3A_68 : memref<3x10x8x128xi32, #tpu.memory_space<vmem>>)
    %dma_wait3A_73 = arith.constant 3 : i32
    %dma_wait3A_74 = arith.constant 1 : i32
    %dma_wait3A_75 = arith.constant 3 : i32
    %dma_wait3A_76 = arith.constant 0 : i32
    %dma_wait3A_77 = arith.constant 0 : i32
    %dma_wait3A_78 = arith.constant 0 : i32
    %dma_wait3A_79 = tpu.memref_slice %arg7[%dma_wait3A_74, %dma_wait3A_75, %dma_wait3A_76, %dma_wait3A_77, %dma_wait3A_78] : memref<2x4x10x8x128xi32, #tpu.memory_space<vmem>> -> memref<1x1x10x4x128xi32, #tpu.memory_space<vmem>>
    %dma_wait3A_80 = tpu.memref_squeeze %dma_wait3A_79 : memref<1x1x10x4x128xi32, #tpu.memory_space<vmem>> -> memref<10x4x128xi32, #tpu.memory_space<vmem>>
    %dma_wait3A_81 = arith.constant 0 : i32
    %dma_wait3A_82 = arith.constant 0 : i32
    %dma_wait3A_83 = tpu.memref_slice %arg4[%dma_wait3A_73, %mul3A_4, %dma_wait3A_81, %dma_wait3A_82] : memref<4x6400x8x128xi32, #tpu.memory_space<hbm>> -> memref<1x10x4x128xi32, #tpu.memory_space<hbm>>
    %dma_wait3A_84 = tpu.memref_squeeze %dma_wait3A_83 : memref<1x10x4x128xi32, #tpu.memory_space<hbm>> -> memref<10x4x128xi32, #tpu.memory_space<hbm>>
    %dma_wait3A_85 = arith.constant 0 : i32
    %dma_wait3A_86 = arith.constant 0 : i32
    %dma_wait3A_87 = arith.constant 0 : i32
    %dma_wait3A_88 = tpu.memref_slice %arg7[%dma_wait3A_74, %dma_wait3A_75, %dma_wait3A_85, %dma_wait3A_86, %dma_wait3A_87] : memref<2x4x10x8x128xi32, #tpu.memory_space<vmem>> -> memref<1x1x10x4x128xi32, #tpu.memory_space<vmem>>
    %dma_wait3A_89 = tpu.memref_squeeze %dma_wait3A_88 : memref<1x1x10x4x128xi32, #tpu.memory_space<vmem>> -> memref<10x4x128xi32, #tpu.memory_space<vmem>>
    %dma_wait3A_90 = arith.constant 0 : i32
    %dma_wait3A_91 = arith.constant 0 : i32
    %dma_wait3A_92 = tpu.memref_slice %arg4[%dma_wait3A_73, %mul3A_4, %dma_wait3A_90, %dma_wait3A_91] : memref<4x6400x8x128xi32, #tpu.memory_space<hbm>> -> memref<1x10x4x128xi32, #tpu.memory_space<hbm>>
    %dma_wait3A_93 = tpu.memref_squeeze %dma_wait3A_92 : memref<1x10x4x128xi32, #tpu.memory_space<hbm>> -> memref<10x4x128xi32, #tpu.memory_space<hbm>>
    tpu.wait_dma2 semaphore(%arg9 : memref<!tpu.dma_semaphore, #tpu.memory_space<semaphore_mem>>) src(%dma_wait3A_93 : memref<10x4x128xi32, #tpu.memory_space<hbm>>) dst(%dma_wait3A_89 : memref<10x4x128xi32, #tpu.memory_space<vmem>>)
    return
  }
}

</mosaic_0001>

<sc_bundles>
// kernel: kernel.3.cloned.1.call-start
scs
__scs_entry_jumppad:
0x0: {  	(pc) =	sbr.rel $0x88, $3  }
0x1: {  	(tag) =	ssettag $0x0;
	lr =	simm.s32 $0x1  }
0x2: {  	[smem:$0x3F9F] =	sst lr;
	_ =	strace $0xD0000000  }
0x3: {  	_ = 	snop  }
0x4: {  	_ = 	snop  }
0x5: {  	_ = 	snop  }
0x6: {  	_ = 	snop  }
0x7: {  	_ = 	snop  }
__scs_overlays_trampoline_lowered:
0x8: {  	[smem:$0x3FAE] =	sst s0  }
0x9: {  	[smem:$0x3FAF] =	sst s1  }
0xa: {  	[smem:$0x3FB0] =	sst s2  }
0xb: {  	[smem:$0x3FB1] =	sst s3  }
0xc: {  	[smem:$0x3FB2] =	sst s4  }
0xd: {  	[smem:$0x3FB3] =	sst s5  }
0xe: {  	[smem:$0x3FB4] =	sst s6  }
0xf: {  	[smem:$0x3FB5] =	sst s7  }
0x10: {  	[smem:$0x3FB6] =	sst s8  }
0x11: {  	[smem:$0x3FB7] =	sst s9;
	s0 =	simm.s32 @!p0 $0x0  }
0x12: {  	s1 =	sld [smem:$0x3F9D];
	s0 =	simm.s32 @p0 $0x1  }
0x13: {  	[smem:$0x3FB8] =	sst s0;
	s0 =	simm.s32 @!p1 $0x0  }
0x14: {  	s2 =	sld [smem:$0x3F9C];
	s0 =	simm.s32 @p1 $0x1  }
0x15: {  	[smem:$0x3FB9] =	sst s0;
	s0 =	simm.s32 @!p2 $0x0  }
0x16: {  	s3 =	sld [smem:$0x3FDB];
	s0 =	simm.s32 @p2 $0x1  }
0x17: {  	s4 =	simm.s32 $0x1BF5;
	[smem:$0x3FBB] =	sst s0  }
0x18: {  	s0 =	sld [smem:$0x3F9E];
	_ =	swait.ge [sflag:s4], $0x0  }
0x19: {  	s7 =	sld [smem:$0x3F9F]  }
0x1a: {  	s8 =	sadd.s32 $0xFFFFE003, lr  }
0x1b: {  	s9 =	sadd.s32 $0xFFFFFEF7, lr;
	s5 =	simm.s32 $0xFFFFFFFF;
	p2 =	slt.u32 s8, $0xFFFFF086  }
0x1c: {  	p1 =	slt.u32 s9, $0xF7A;
	s5 =	simm.s32 @!p2 $0x0  }
0x1d: {  	s5 =	simm.s32 @p1 $0x1;
	p0 =	seq.s32 s7, s2  }
0x1e: {  	s7 =	smul.u32 @!p0 $0xF7A, s2;
	p2 =	seq.s32 @!p0 s5, $0x0  }
0x1f: {  	s9 =	smul.u32 $0xF7A, s1;
	s8 =	simm.s32 @!p0 $0x1BF5;
	p2 =	por !p2, p0  }
0x20: {  	[sflag:s8] =	ssyncset.s32 @!p0 $0xFFFFF086;
	s6 =	sadd.s32 @!p0 s3, s7;
	s7 =	simm.s32 @!p0 $0x108  }
0x21: {  	s3 =	sadd.s32 s3, s9;
	s6 =	sadd.s32 @!p0 $0x88, s6;
	s7 =	simm.s32 @p2 $0x1082  }
0x22: {  	[simem:s7], [sflag:s8] =	dma.local @!p0 [hbm:s6], $0xF7A  }
0x23: {  	s9 =	sor.u32 $0xD0000000, s2;
	s6 =	simm.s32 $0x108;
	_ =	swait.ge @!p0 [sflag:s8], $0x0  }
0x24: {  	s3 =	sadd.s32 $0x88, s3;
	s6 =	simm.s32 @!p1 $0x1082;
	[sflag:s4] =	ssyncset.s32 $0xFFFFF086  }
0x25: {  	[simem:s6], [sflag:s4] =	dma.local [hbm:s3], $0xF7A  }
0x26: {  	[smem:$0x3F9F] =	sst s1;
	(tag) =	ssettag s2;
	_ =	strace s9  }
0x27: {  	s1 =	sld [smem:$0x3FAF]  }
0x28: {  	s2 =	sld [smem:$0x3FB0]  }
0x29: {  	s4 =	sld [smem:$0x3FB2]  }
0x2a: {  	p0 =	seq.s32 s5, $0x0;
	s5 =	sld [smem:$0x3FB3]  }
0x2b: {  	s6 =	sld [smem:$0x3FB4]  }
0x2c: {  	s7 =	sld [smem:$0x3FB5]  }
0x2d: {  	s3 =	simm.s32 $0x108;
	s8 =	sld [smem:$0x3FB6]  }
0x2e: {  	s3 =	simm.s32 @!p0 $0x1082;
	s9 =	sld [smem:$0x3FB7]  }
0x2f: {  	lr =	sadd.s32 s0, s3;
	s0 =	sld [smem:$0x3FAE]  }
0x30: {  	s3 =	sld [smem:$0x3FB1]  }
0x31: {  	[smem:$0x3FBA] =	sst s10  }
0x32: {  	s10 =	sld [smem:$0x3FB8];
	_ =	sdelay $0x3  }
0x33: {  	p0 =	seq.s32 s10, $0x1;
	s10 =	sld [smem:$0x3FBA];
	_ =	sdelay $0x3  }
0x34: {  	[smem:$0x3FBA] =	sst s10  }
0x35: {  	s10 =	sld [smem:$0x3FB9];
	_ =	sdelay $0x3  }
0x36: {  	p1 =	seq.s32 s10, $0x1;
	s10 =	sld [smem:$0x3FBA];
	_ =	sdelay $0x3  }
0x37: {  	[smem:$0x3FBA] =	sst s10  }
0x38: {  	s10 =	sld [smem:$0x3FBB]  }
0x39: {  	_ = 	snop;
	(pc) =	sbr.ind lr, $3  }
0x3a: {  	_ = 	snop  }
0x3b: {  	_ = 	snop  }
0x3c: {  	p2 =	seq.s32 s10, $0x1;
	s10 =	sld [smem:$0x3FBA]  }
0x3d: {  	_ =	shalt  }
0x3e: {  	_ =	shalt  }
0x3f: {  	_ =	shalt  }
0x40: {  	_ =	shalt  }
0x41: {  	_ =	shalt  }
0x42: {  	_ =	shalt  }
0x43: {  	_ =	shalt  }
0x44: {  	_ =	shalt  }
0x45: {  	_ =	shalt  }
0x46: {  	_ =	shalt  }
0x47: {  	_ =	shalt  }
0x48: {  	_ =	shalt  }
0x49: {  	_ =	shalt  }
0x4a: {  	_ =	shalt  }
0x4b: {  	_ =	shalt  }
0x4c: {  	_ =	shalt  }
0x4d: {  	_ =	shalt  }
0x4e: {  	_ =	shalt  }
0x4f: {  	_ =	shalt  }
0x50: {  	_ =	shalt  }
0x51: {  	_ =	shalt  }
0x52: {  	_ =	shalt  }
0x53: {  	_ =	shalt  }
0x54: {  	_ =	shalt  }
0x55: {  	_ =	shalt  }
0x56: {  	_ =	shalt  }
0x57: {  	_ =	shalt  }
0x58: {  	_ =	shalt  }
0x59: {  	_ =	shalt  }
0x5a: {  	_ =	shalt  }
0x5b: {  	_ =	shalt  }
0x5c: {  	_ =	shalt  }
0x5d: {  	_ =	shalt  }
0x5e: {  	_ =	shalt  }
0x5f: {  	_ =	shalt  }
0x60: {  	_ =	shalt  }
0x61: {  	_ =	shalt  }
0x62: {  	_ =	shalt  }
0x63: {  	_ =	shalt  }
0x64: {  	_ =	shalt  }
0x65: {  	_ =	shalt  }
0x66: {  	_ =	shalt  }
0x67: {  	_ =	shalt  }
0x68: {  	_ =	shalt  }
0x69: {  	_ =	shalt  }
0x6a: {  	_ =	shalt  }
0x6b: {  	_ =	shalt  }
0x6c: {  	_ =	shalt  }
0x6d: {  	_ =	shalt  }
0x6e: {  	_ =	shalt  }
0x6f: {  	_ =	shalt  }
0x70: {  	_ =	shalt  }
0x71: {  	_ =	shalt  }
0x72: {  	_ =	shalt  }
0x73: {  	_ =	shalt  }
0x74: {  	_ =	shalt  }
0x75: {  	_ =	shalt  }
0x76: {  	_ =	shalt  }
0x77: {  	_ =	shalt  }
0x78: {  	_ =	shalt  }
0x79: {  	_ =	shalt  }
0x7a: {  	_ =	shalt  }
0x7b: {  	_ =	shalt  }
0x7c: {  	_ =	shalt  }
0x7d: {  	_ =	shalt  }
0x7e: {  	_ =	shalt  }
0x7f: {  	_ =	shalt  }
0x80: {  	_ =	shalt  }
0x81: {  	_ =	shalt  }
0x82: {  	_ =	shalt  }
0x83: {  	_ =	shalt  }
0x84: {  	_ =	shalt  }
0x85: {  	_ =	shalt  }
0x86: {  	_ =	shalt  }
0x87: {  	_ =	shalt  }
.Lfunc_end0:
.L_simem_size_0:
called_computation_lowered:
.L_overlay_start_0:
0x88: {  	s2 =	sld [smem:$0x3FD9]  }
0x89: {  	s3 =	sld [smem:$0x3FFE];
	_ =	sdelay $0x1  }
0x8a: {  	s1 =	srdreg.scid  }
0x8b: {  	s0 =	sand.u32 $0x1, s1  }
0x8c: {  	s17 =	sshll.u32 s0, $0xA;
	s2 =	sadd.s32 s3, s2  }
0x8d: {  	s2 =	sadd.s32 s2, s17  }
0x8e: {  	[smem:$0x3FC6] =	sst s2  }
0x8f: {  	_ = 	snop  }
0x90: {  	s2 =	sld [smem:$0x3FC9]  }
0x91: {  	s18 =	sld [smem:$0x3FD0];
	(tm) =	ssettm $0x1  }
0x92: {  	s4 =	sld [smem:$0x3FFB];
	_ =	sdelay $0x3  }
0x93: {  	_ =	strace s4  }
0x94: {  	s4 =	sld [smem:$0x3FFC];
	_ =	sdelay $0x3  }
0x95: {  	_ =	strace s4  }
0x96: {  	s4 =	sld [smem:$0x3FFD];
	_ =	sdelay $0x3  }
0x97: {  	_ =	strace s4  }
0x98: {  	_ =	strace $0x8FFFFFFF  }
0x99: {  	s19 =	sld [smem:$0x3FDB];
	_ =	sdelay $0x1  }
0x9a: {  	s5 =	simm.s32 $_scs_section_size  }
0x9b: {  	s6 =	simm.s32 $_size__tile_overlayer_lowered;
	s7 =	simm.s32 $_tile_overlayer_lowered  }
0x9c: {  	s22 =	simm.s32 $0x1BFF;
	s21 =	sshll.u32 s7, $0x1;
	s4 =	sadd.s32 s5, s19  }
0x9d: {  	s8 =	simm.s32 $0x0;
	s20 =	sshll.u32 s6, $0x1;
	s6 =	sadd.s32 s21, s4  }
0x9e: {  	[timem:s8], [sflag:s22] =	dma.local [hbm:s6], s20  }
0x9f: {  	_ =	swait.ge [sflag:s22], s20  }
0xa0: {  	s5 =	ssub.s32 $0x0, s20;
	[sflag:s22] =	ssyncset.done $0x0  }
0xa1: {  	[sflag:s22] =	ssyncadd.s32 s5;
	_ =	sdelay $0x1  }
0xa2: {  	s23 =	simm.s32 $0x1B8B  }
0xa3: {  	_ =	swait.ge [sflag:s23], $0x1  }
0xa4: {  	[sflag:s23] =	ssyncset.done $0x0  }
0xa5: {  	s25 =	simm.s32 $0x1B8E;
	s24 =	sld [smem:$0x3FFE];
	[sflag:s23] =	ssyncadd.s32 $0xFFFFFFFF  }
0xa6: {  	s26 =	simm.s32 $execute0_lowered;
	[smem:$0x3FD2] =	sst s25  }
0xa7: {  	s6 =	sshll.u32 s26, $0x1;
	_ =	strace $0x80000046;
	[dreg:$0x1] =	wrdreg $0xFFFFFFFF  }
0xa8: {  	s28 =	simm.s32 $_size_execute0_lowered;
	s4 =	sadd.s32 s4, s6;
	[dreg:$0x0] =	wrdreg $0x0  }
0xa9: {  	s6 =	sshll.u32 s28, $0x1;
	[dreg:$0x2] =	wrdreg s4  }
0xaa: {  	[dreg:$0x3] =	wrdreg s6  }
0xab: {  	[dreg:$0x4] =	wrdreg $0xC0  }
0xac: {  	_ =	task [dreg:s8], $0x5FFFF  }
0xad: {  	[dreg:$0x1] =	wrdreg $0xFFFFFFFF  }
0xae: {  	[dreg:$0x0] =	wrdreg $0x60  }
0xaf: {  	[dreg:$0x2] =	wrdreg s2  }
0xb0: {  	[dreg:$0x3] =	wrdreg s24  }
0xb1: {  	[dreg:$0x4] =	wrdreg s18  }
0xb2: {  	[dreg:$0x5] =	wrdreg $0x9  }
0xb3: {  	_ =	task.clear_ibuf [dreg:s8], $0x6FFFF;
	_ =	strace $0x90000046  }
0xb4: {  	s29 =	simm.s32 $0x9;
	_ =	strace $0x80000048  }
0xb5: {  	_ =	swait.ge [sflag:s29], $0x1  }
0xb6: {  	[sflag:s29] =	ssyncadd.s32 $0xFFFFFFFF  }
0xb7: {  	_ =	strace $0x90000048  }
0xb8: {  	_ =	sfence  }
0xb9: {  	s30 =	sld [smem:$0x0];
	_ =	sdelay $0x2  }
0xba: {  	s31 =	sshll.u32 s1, $0xD;
	s1 =	sshrl.u32 s1, $0x2  }
0xbb: {  	s3 =	sand.u32 $0x4000, s31;
	s1 =	sadd.s32 s1, s30  }
0xbc: {  	s0 =	sor.u32 s3, s0;
	s1 =	sshll.u32 s1, $0x11  }
0xbd: {  	s0 =	sor.u32 s1, s0  }
0xbe: {  	s0 =	sadd.s32 $0x8F2B, s0  }
0xbf: {  	[sflag:s0] =	ssyncadd.remote.s32 $0x1  }
0xc0: {  	_ =	sfence.sel $0xFFFF  }
0xc1: {  	[dreg:$0x0] =	wrdreg $0xFFFFFFFF;
	(pc) =	sbr.abs _section_cstart, $3  }
0xc2: {  	[dreg:$0x1] =	wrdreg $0xFFFFFFFF  }
0xc3: {  	_ =	task.clear_ibuf [dreg:s8], $0x2FFFF;
	_ =	strace $0x9FFFFFFF  }
0xc4: {  	(tm) =	ssettm $0x7FFFFFFF  }
0xc5: {  	_ =	shalt  }
tec
execute0_lowered:
.L_overlay_start_1:
0x0: {  	(tag) =	ssettag $0x1  }
0x1: {  	s0 =	rddreg [dreg:$0x0]  }
0x2: {  	s1 =	rddreg [dreg:$0x1]  }
0x3: {  	s6 =	rddreg [dreg:$0x2]  }
0x4: {  	s2 =	srdreg.scid;
	s3 =	stileid.u32  }
0x5: {  	s5 =	simm.s32 $0x0;
	s2 =	sand.u32 $0x1, s2;
	s3 =	sshll.u32 s3, $0x1  }
0x6: {  	[smem:$0x7FF] =	sst s5;
	s4 =	ssub.s32 $0x2, s2;
	s2 =	sor.u32 s2, s3  }
0x7: {  	s1 =	sadd.s32 $0x400, s1;
	s30 =	sadd.s32 $0x258000, s6;
	s28 =	smul.u32 $0xC80, s2  }
0x8: {  	_ =	strace $0x80000047;
	[dreg:$0x10] =	wrdreg s1;
	s2 =	smul.u32 $0xC8, s2  }
0x9: {  	[dreg:$0x13] =	wrdreg s30;
	s26 =	sshrl.u32 s4, $0x1  }
0xa: {  	s29 =	ssub.s32 s4, s26;
	[dreg:$0x11] =	wrdreg s2;
	s0 =	sadd.s32 s0, s28  }
0xb: {  	s31 =	smax.u32 s29, $0x1;
	[dreg:$0x12] =	wrdreg s0  }
0xc: {  	s3 =	simm.s32 $0x6400;
	s2 =	simm.s32 $0x0;
	[dreg:$0x14] =	wrdreg s31  }
.LBB2_1:
0xd: {  	[dreg:$0x15] =	wrdreg s2  }
0xe: {  	s0 =	simm.s32 $0x0;
	s1 =	rddreg [dreg:$0x10];
	s29 =	simm.s32 $0x3  }
0xf: {  	[tilespmem:s3], [sflag:$0x3] =	stream.linear.gather [hbm4b:s1+s0], $0x80, $0x38;
	[tilespmem:$0x1A480] =	vst v63  }
0x10: {  	_ =	swait.ge [sflag:s29], $0x80  }
0x11: {  	[sflag:s29] =	ssyncset.done $0x0  }
0x12: {  	s30 =	rddreg [dreg:$0x12];
	[sflag:s29] =	ssyncadd.s32 $0xFFFFFF80  }
0x13: {  	[tilespmem:s0], [sflag:$0x3] =	stream.linear.gather [hbm4b:s30+s0], $0x6400, $0x38;
	[tilespmem:$0x1A480] =	vst v63  }
0x14: {  	_ =	swait.ge [sflag:s29], $0x6400  }
0x15: {  	s31 =	simm.s32 $0x510;
	s2 =	simm.s32 $0x0;
	[sflag:s29] =	ssyncset.done $0x0  }
0x16: {  	s1 =	simm.s32 $0x10;
	[dreg:$0x16] =	wrdreg s31;
	[sflag:s29] =	ssyncadd.s32 $0xFFFF9C00  }
.LBB2_2:
0x17: {  	p0 =	seq.s32 s2, $0x0  }
0x18: {  	[dreg:$0x18] =	wrdreg s2;
	s0 =	simm.s32 @!p0 $0x1  }
0x19: {  	_ =	swait.ge @!p0 [sflag:s0], $0x7800  }
0x1a: {  	[sflag:s0] =	ssyncset.done @!p0 $0x0  }
0x1b: {  	[sflag:s0] =	ssyncadd.s32 @!p0 $0xFFFF8800  }
0x1c: {  	_ =	swait.ge @!p0 [sflag:s0], $0x1400  }
0x1d: {  	[sflag:s0] =	ssyncset.done @!p0 $0x0  }
0x1e: {  	[sflag:s0] =	ssyncadd.s32 @!p0 $0xFFFFEC00  }
0x1f: {  	v0 =	vld [tilespmem:s1+$0x0];
	_ =	sdelay $0x7  }
0x20: {  	v1 =	vld.idx.msk [tilespmem:v0+s3+$0x0], $0xffff;
	_ =	sdelay $0x1  }
0x21: {  	s15 =	simm.s32 $0x0  }
0x22: {  	s19 =	smov.u32 s1;
	s20 =	simm.s32 $0x10;
	s5 =	sand.u32 $0x3C00, s15  }
0x23: {  	s0 =	sadd.s32 $0x6480, s5;
	s1 =	sand.u32 $0x70, s20;
	[dreg:$0x17] =	wrdreg s19  }
0x24: {  	s4 =	sor.u32 s1, s0;
	v0 =	vld [tilespmem:s19+$0xFFFFFFF0];
	v2 =	vand.u32 $0x1, v1;
	v3 =	vshrl.u32 v1, $0x1  }
0x25: {  	[tilespmem:s4+$0x0] =	vst v2;
	v2 =	vand.u32 $0x1, v3;
	v3 =	vshrl.u32 v1, $0x2  }
0x26: {  	[tilespmem:s4+$0x80] =	vst v2;
	v2 =	vand.u32 $0x1, v3;
	v3 =	vshrl.u32 v1, $0x3  }
0x27: {  	[tilespmem:s4+$0x100] =	vst v2;
	v2 =	vand.u32 $0x1, v3;
	v3 =	vshrl.u32 v1, $0x4  }
0x28: {  	[tilespmem:s4+$0x180] =	vst v2;
	v2 =	vand.u32 $0x1, v3;
	v3 =	vshrl.u32 v1, $0x5  }
0x29: {  	[tilespmem:s4+$0x200] =	vst v2;
	v2 =	vand.u32 $0x1, v3;
	v3 =	vshrl.u32 v1, $0x6  }
0x2a: {  	[tilespmem:s4+$0x280] =	vst v2;
	v2 =	vand.u32 $0x1, v3;
	v3 =	vshrl.u32 v1, $0x7  }
0x2b: {  	s2 =	sadd.s32 $0x8C80, s5;
	[tilespmem:s4+$0x300] =	vst v2;
	v2 =	vand.u32 $0x1, v3;
	v3 =	vshrl.u32 v1, $0x8  }
0x2c: {  	s6 =	sor.u32 s1, s2;
	v0 =	vld.idx.msk [tilespmem:v0+s3+$0x0], $0xffff;
	s3 =	sadd.s32 $0x8D00, s5;
	[tilespmem:s4+$0x380] =	vst v2;
	v2 =	vand.u32 $0x1, v3;
	v3 =	vshrl.u32 v1, $0x9  }
0x2d: {  	s21 =	sor.u32 s1, s3;
	s4 =	sadd.s32 $0x8D80, s5;
	[tilespmem:s6+$0x0] =	vst v2;
	v2 =	vand.u32 $0x1, v3;
	v3 =	vshrl.u32 v1, $0xA  }
0x2e: {  	s7 =	sadd.s32 $0x8E00, s5;
	s8 =	sor.u32 s1, s4;
	[tilespmem:s21+$0x0] =	vst v2;
	v2 =	vand.u32 $0x1, v3;
	v3 =	vshrl.u32 v1, $0xB  }
0x2f: {  	s9 =	sor.u32 s1, s7;
	s6 =	sadd.s32 $0x8E80, s5;
	[tilespmem:s8+$0x0] =	vst v2;
	v2 =	vand.u32 $0x1, v3;
	v3 =	vshrl.u32 v1, $0xC  }
0x30: {  	s10 =	sor.u32 s1, s6;
	s8 =	sadd.s32 $0x8F00, s5;
	[tilespmem:s9+$0x0] =	vst v2;
	v2 =	vand.u32 $0x1, v3;
	v3 =	vshrl.u32 v1, $0xD  }
0x31: {  	s9 =	sadd.s32 $0x8F80, s5;
	s11 =	sor.u32 s1, s8;
	[tilespmem:s10+$0x0] =	vst v2;
	v2 =	vand.u32 $0x1, v3;
	v3 =	vshrl.u32 v1, $0xE  }
0x32: {  	v4 =	vshrl.u32 v0, $0x1;
	s10 =	sadd.s32 $0x9000, s5;
	s12 =	sor.u32 s1, s9;
	[tilespmem:s11+$0x0] =	vst v2;
	v2 =	vand.u32 $0x1, v3;
	v3 =	vshrl.u32 v1, $0xF  }
0x33: {  	v5 =	vshrl.u32 v0, $0x2;
	s11 =	sadd.s32 $0xB480, s5;
	s22 =	sor.u32 s1, s10;
	[tilespmem:s12+$0x0] =	vst v2;
	v2 =	vand.u32 $0x1, v3;
	v3 =	vshrl.u32 v1, $0x10  }
0x34: {  	s13 =	sadd.s32 $0xB500, s5;
	v6 =	vshrl.u32 v0, $0x3;
	s23 =	sor.u32 s1, s11;
	[tilespmem:s22+$0x0] =	vst v2;
	v2 =	vand.u32 $0x1, v3;
	v3 =	vshrl.u32 v1, $0x11  }
0x35: {  	s14 =	sadd.s32 $0xB580, s5;
	s24 =	sor.u32 s1, s13;
	v7 =	vshrl.u32 v0, $0x4;
	[tilespmem:s23+$0x0] =	vst v2;
	v2 =	vand.u32 $0x1, v3;
	v3 =	vshrl.u32 v1, $0x12  }
0x36: {  	s17 =	sadd.s32 $0xB600, s5;
	s25 =	sor.u32 s1, s14;
	v8 =	vshrl.u32 v0, $0x5;
	[tilespmem:s24+$0x0] =	vst v2;
	v2 =	vand.u32 $0x1, v3;
	v3 =	vshrl.u32 v1, $0x13  }
0x37: {  	s18 =	sadd.s32 $0xB680, s5;
	s26 =	sor.u32 s1, s17;
	v9 =	vshrl.u32 v0, $0x6;
	[tilespmem:s25+$0x0] =	vst v2;
	v2 =	vand.u32 $0x1, v3;
	v3 =	vshrl.u32 v1, $0x14  }
0x38: {  	s29 =	sor.u32 s1, s18;
	s19 =	sadd.s32 $0xB700, s5;
	v10 =	vshrl.u32 v0, $0x7;
	[tilespmem:s26+$0x0] =	vst v2;
	v2 =	vand.u32 $0x1, v3;
	v3 =	vshrl.u32 v1, $0x15  }
0x39: {  	s30 =	sor.u32 s1, s19;
	v11 =	vshrl.u32 v0, $0x8;
	s23 =	sadd.s32 $0xB780, s5;
	[tilespmem:s29+$0x0] =	vst v2;
	v2 =	vand.u32 $0x1, v3;
	v3 =	vshrl.u32 v1, $0x16  }
0x3a: {  	v12 =	vshrl.u32 v0, $0x9;
	s24 =	sadd.s32 $0xB800, s5;
	s16 =	sor.u32 s1, s23;
	[tilespmem:s30+$0x0] =	vst v2;
	v2 =	vand.u32 $0x1, v3;
	v3 =	vshrl.u32 v1, $0x17  }
0x3b: {  	v13 =	vshrl.u32 v0, $0xA;
	s25 =	sadd.s32 $0xDC80, s5;
	s20 =	sor.u32 s1, s24;
	[tilespmem:s16+$0x0] =	vst v2;
	v2 =	vand.u32 $0x1, v3;
	v3 =	vshrl.u32 v1, $0x18  }
0x3c: {  	s28 =	sadd.s32 $0xDD00, s5;
	v14 =	vshrl.u32 v0, $0xB;
	s21 =	sor.u32 s1, s25;
	[tilespmem:s20+$0x0] =	vst v2;
	v2 =	vand.u32 $0x1, v3;
	v3 =	vshrl.u32 v1, $0x19  }
0x3d: {  	v15 =	vshrl.u32 v0, $0xC;
	s22 =	sor.u32 s1, s28;
	s29 =	sadd.s32 $0xDD80, s5;
	[tilespmem:s21+$0x0] =	vst v2;
	v2 =	vand.u32 $0x1, v3;
	v3 =	vshrl.u32 v1, $0x1A  }
0x3e: {  	v16 =	vshrl.u32 v0, $0xD;
	s30 =	sadd.s32 $0xDE00, s5;
	s26 =	sor.u32 s1, s29;
	s16 =	simm.s32 $0x0;
	v1 =	vshrl.u32 v1, $0x1B;
	[tilespmem:s22+$0x0] =	vst v2;
	v2 =	vand.u32 $0x1, v3  }
0x3f: {  	v17 =	vshrl.u32 v0, $0xE;
	v18 =	vshrl.u32 v0, $0x10;
	s1 =	sor.u32 s1, s30;
	s31 =	sand.u32 $0x60, s16;
	v1 =	vand.u32 $0x1, v1;
	[tilespmem:s26+$0x0] =	vst v2  }
0x40: {  	v19 =	vshrl.u32 v0, $0x11;
	v20 =	vshrl.u32 v0, $0x12;
	s0 =	sor.u32 s31, s0;
	v2 =	vand.u32 $0x1, v4;
	[tilespmem:s1+$0x0] =	vst v1  }
0x41: {  	v21 =	vshrl.u32 v0, $0x14;
	v22 =	vshrl.u32 v0, $0x15;
	v4 =	vand.u32 $0x1, v5;
	[tilespmem:s0+$0x80] =	vst v2  }
0x42: {  	v23 =	vshrl.u32 v0, $0x16;
	v24 =	vshrl.u32 v0, $0x18;
	v5 =	vand.u32 $0x1, v10;
	[tilespmem:s0+$0x100] =	vst v4  }
0x43: {  	v25 =	vshrl.u32 v0, $0x19;
	v26 =	vshrl.u32 v0, $0x1A;
	v2 =	vand.u32 $0x1, v6;
	[tilespmem:s0+$0x380] =	vst v5  }
0x44: {  	v27 =	vshrl.u32 v0, $0x1B;
	v3 =	vshrl.u32 v0, $0xF;
	v4 =	vand.u32 $0x1, v7;
	[tilespmem:s0+$0x180] =	vst v2  }
0x45: {  	v1 =	vshrl.u32 v0, $0x13;
	v6 =	vshrl.u32 v0, $0x17;
	v0 =	vand.u32 $0x1, v0;
	[tilespmem:s0+$0x200] =	vst v4  }
0x46: {  	s16 =	simm.s32 $0x0;
	v2 =	vand.u32 $0x1, v8;
	[tilespmem:s0+$0x0] =	vst v0  }
0x47: {  	s20 =	sor.u32 s31, s2;
	s3 =	sor.u32 s31, s3;
	s4 =	sor.u32 s31, s4;
	v4 =	vand.u32 $0x1, v9;
	[tilespmem:s0+$0x280] =	vst v2  }
0x48: {  	v28 =	vand.u32 $0x1, v14;
	s7 =	sor.u32 s31, s7;
	s2 =	sor.u32 s31, s8;
	s5 =	sor.u32 s31, s9;
	v8 =	vand.u32 $0x1, v11;
	[tilespmem:s0+$0x300] =	vst v4  }
0x49: {  	v14 =	vand.u32 $0x1, v21;
	s10 =	sor.u32 s31, s10;
	s12 =	sor.u32 s31, s11;
	s13 =	sor.u32 s31, s13;
	v10 =	vand.u32 $0x1, v19;
	v11 =	vand.u32 $0x1, v12;
	[tilespmem:s20+$0x0] =	vst v8  }
0x4a: {  	s14 =	sor.u32 s31, s14;
	s21 =	sor.u32 s31, s18;
	s23 =	sor.u32 s31, s23;
	v7 =	vand.u32 $0x1, v17;
	v5 =	vand.u32 $0x1, v3;
	v12 =	vand.u32 $0x1, v13;
	[tilespmem:s3+$0x0] =	vst v11  }
0x4b: {  	s24 =	sor.u32 s31, s24;
	s28 =	sor.u32 s31, s28;
	s22 =	sor.u32 s31, s19;
	v3 =	vand.u32 $0x1, v26;
	v9 =	vand.u32 $0x1, v20;
	v13 =	vand.u32 $0x1, v1;
	[tilespmem:s4+$0x0] =	vst v12  }
0x4c: {  	s19 =	simm.s32 $0x10;
	s26 =	sor.u32 s31, s25;
	s25 =	sor.u32 s31, s29;
	v0 =	vand.u32 $0x1, v27;
	v2 =	vand.u32 $0x1, v15;
	v4 =	vand.u32 $0x1, v16;
	[tilespmem:s7+$0x0] =	vst v28  }
0x4d: {  	s1 =	sor.u32 s31, s6;
	v15 =	vand.u32 $0x1, v23;
	v16 =	vand.u32 $0x1, v6;
	v6 =	vand.u32 $0x1, v25;
	s20 =	sor.u32 s31, s17;
	s0 =	rddreg [dreg:$0x17]  }
0x4e: {  	v8 =	vand.u32 $0x1, v18;
	s17 =	sor.u32 s31, s30;
	s31 =	simm.s32 $0x6400;
	v11 =	vand.u32 $0x1, v22;
	v12 =	vand.u32 $0x1, v24;
	s18 =	sadd.s32 $0x20, s0  }
.LBB2_3:
0x4f: {  	v1 =	vld [tilespmem:s18+$0x0];
	[tilespmem:s1+$0x0] =	vst v2  }
0x50: {  	v17 =	vld [tilespmem:s18+$0xFFFFFFF0];
	[tilespmem:s2+$0x0] =	vst v4  }
0x51: {  	[tilespmem:s5+$0x0] =	vst v7  }
0x52: {  	[tilespmem:s10+$0x0] =	vst v5  }
0x53: {  	[tilespmem:s12+$0x0] =	vst v8  }
0x54: {  	[tilespmem:s13+$0x0] =	vst v10  }
0x55: {  	[tilespmem:s14+$0x0] =	vst v9  }
0x56: {  	[tilespmem:s20+$0x0] =	vst v13  }
0x57: {  	v2 =	vld.idx.msk [tilespmem:v1+s31+$0x0], $0xffff;
	[tilespmem:s21+$0x0] =	vst v14  }
0x58: {  	v1 =	vld.idx.msk [tilespmem:v17+s31+$0x0], $0xffff;
	[tilespmem:s22+$0x0] =	vst v11  }
0x59: {  	[tilespmem:s23+$0x0] =	vst v15  }
0x5a: {  	s15 =	sadd.s32 $0x100, s15;
	[tilespmem:s24+$0x0] =	vst v16  }
0x5b: {  	s19 =	sadd.s32 $0x20, s19;
	s8 =	sand.u32 $0x3C00, s15;
	[tilespmem:s26+$0x0] =	vst v12  }
0x5c: {  	s0 =	sadd.s32 $0xFFFFFFF0, s19;
	s6 =	sand.u32 $0x70, s19;
	s1 =	sadd.s32 $0x6480, s8;
	[tilespmem:s28+$0x0] =	vst v6  }
0x5d: {  	s4 =	sand.u32 $0x60, s0;
	s2 =	sor.u32 s6, s1;
	v5 =	vand.u32 $0x1, v2;
	v6 =	vshrl.u32 v2, $0x1;
	[tilespmem:s25+$0x0] =	vst v3  }
0x5e: {  	s0 =	sor.u32 s4, s1;
	v4 =	vshrl.u32 v1, $0x1;
	[tilespmem:s2+$0x0] =	vst v5;
	v5 =	vand.u32 $0x1, v6;
	v6 =	vshrl.u32 v2, $0x2  }
0x5f: {  	v7 =	vshrl.u32 v2, $0x3;
	v3 =	vshrl.u32 v1, $0x2;
	[tilespmem:s2+$0x80] =	vst v5;
	v6 =	vand.u32 $0x1, v6  }
0x60: {  	v8 =	vshrl.u32 v2, $0x4;
	v7 =	vand.u32 $0x1, v7;
	v5 =	vshrl.u32 v1, $0x3;
	[tilespmem:s2+$0x100] =	vst v6  }
0x61: {  	v9 =	vshrl.u32 v2, $0x5;
	v8 =	vand.u32 $0x1, v8;
	v6 =	vshrl.u32 v1, $0x4;
	[tilespmem:s2+$0x180] =	vst v7  }
0x62: {  	v10 =	vshrl.u32 v2, $0x6;
	v9 =	vand.u32 $0x1, v9;
	v7 =	vshrl.u32 v1, $0x5;
	[tilespmem:s2+$0x200] =	vst v8  }
0x63: {  	v11 =	vshrl.u32 v2, $0x7;
	v10 =	vand.u32 $0x1, v10;
	v8 =	vshrl.u32 v1, $0x6;
	[tilespmem:s2+$0x280] =	vst v9  }
0x64: {  	s1 =	sadd.s32 $0x8C80, s8;
	v12 =	vshrl.u32 v2, $0x8;
	v11 =	vand.u32 $0x1, v11;
	v9 =	vshrl.u32 v1, $0x7;
	[tilespmem:s2+$0x300] =	vst v10  }
0x65: {  	s5 =	sadd.s32 $0x8D00, s8;
	s3 =	sor.u32 s4, s1;
	s1 =	sor.u32 s6, s1;
	v13 =	vshrl.u32 v2, $0x9;
	v12 =	vand.u32 $0x1, v12;
	v10 =	vshrl.u32 v1, $0x8;
	[tilespmem:s2+$0x380] =	vst v11  }
0x66: {  	s7 =	sor.u32 s4, s5;
	v14 =	vshrl.u32 v2, $0xA;
	v13 =	vand.u32 $0x1, v13;
	v11 =	vshrl.u32 v1, $0x9;
	s2 =	sadd.s32 $0x8D80, s8;
	[tilespmem:s1+$0x0] =	vst v12;
	s1 =	sor.u32 s6, s5  }
0x67: {  	v15 =	vshrl.u32 v2, $0xB;
	v14 =	vand.u32 $0x1, v14;
	v12 =	vshrl.u32 v1, $0xA;
	s9 =	sor.u32 s4, s2;
	s5 =	sadd.s32 $0x8E00, s8;
	[tilespmem:s1+$0x0] =	vst v13;
	s1 =	sor.u32 s6, s2  }
0x68: {  	v16 =	vshrl.u32 v2, $0xC;
	v15 =	vand.u32 $0x1, v15;
	v13 =	vshrl.u32 v1, $0xB;
	s11 =	sor.u32 s4, s5;
	s2 =	sadd.s32 $0x8E80, s8;
	[tilespmem:s1+$0x0] =	vst v14;
	s1 =	sor.u32 s6, s5  }
0x69: {  	s16 =	sadd.s32 $0x2, s16;
	v17 =	vshrl.u32 v2, $0xD;
	v16 =	vand.u32 $0x1, v16;
	v14 =	vshrl.u32 v1, $0xC;
	s5 =	sadd.s32 $0x8F00, s8;
	[tilespmem:s1+$0x0] =	vst v15;
	s1 =	sor.u32 s6, s2  }
0x6a: {  	p1 =	slt.u32 s16, $0x4E;
	s10 =	sadd.s32 $0x8F80, s8;
	v18 =	vshrl.u32 v2, $0xE;
	v17 =	vand.u32 $0x1, v17;
	v15 =	vshrl.u32 v1, $0xD;
	s12 =	sor.u32 s6, s5;
	[tilespmem:s1+$0x0] =	vst v16  }
0x6b: {  	s13 =	sadd.s32 $0x9000, s8;
	s1 =	sor.u32 s4, s2;
	v16 =	vshrl.u32 v1, $0xE;
	[tilespmem:s12+$0x0] =	vst v17;
	v17 =	vand.u32 $0x1, v18;
	s12 =	sor.u32 s6, s10;
	v18 =	vshrl.u32 v2, $0xF  }
0x6c: {  	s14 =	sadd.s32 $0xB480, s8;
	v19 =	vshrl.u32 v1, $0xF;
	s2 =	sor.u32 s4, s5;
	[tilespmem:s12+$0x0] =	vst v17;
	v17 =	vand.u32 $0x1, v18;
	s12 =	sor.u32 s6, s13;
	v18 =	vshrl.u32 v2, $0x10  }
0x6d: {  	s20 =	sadd.s32 $0xB500, s8;
	v20 =	vshrl.u32 v1, $0x10;
	s5 =	sor.u32 s4, s10;
	[tilespmem:s12+$0x0] =	vst v17;
	v17 =	vand.u32 $0x1, v18;
	s12 =	sor.u32 s6, s14;
	v18 =	vshrl.u32 v2, $0x11  }
0x6e: {  	s21 =	sadd.s32 $0xB580, s8;
	v21 =	vshrl.u32 v1, $0x11;
	s10 =	sor.u32 s4, s13;
	s13 =	sor.u32 s6, s20;
	[tilespmem:s12+$0x0] =	vst v17;
	v17 =	vand.u32 $0x1, v18;
	v18 =	vshrl.u32 v2, $0x12  }
0x6f: {  	s22 =	sadd.s32 $0xB600, s8;
	v22 =	vshrl.u32 v1, $0x12;
	s12 =	sor.u32 s4, s14;
	s14 =	sor.u32 s6, s21;
	[tilespmem:s13+$0x0] =	vst v17;
	v17 =	vand.u32 $0x1, v18;
	v18 =	vshrl.u32 v2, $0x13  }
0x70: {  	s23 =	sadd.s32 $0xB680, s8;
	v23 =	vshrl.u32 v1, $0x13;
	s13 =	sor.u32 s4, s20;
	s20 =	sor.u32 s6, s22;
	[tilespmem:s14+$0x0] =	vst v17;
	v17 =	vand.u32 $0x1, v18;
	v18 =	vshrl.u32 v2, $0x14  }
0x71: {  	s24 =	sadd.s32 $0xB700, s8;
	v24 =	vshrl.u32 v1, $0x14;
	s14 =	sor.u32 s4, s21;
	s21 =	sor.u32 s6, s23;
	[tilespmem:s20+$0x0] =	vst v17;
	v17 =	vand.u32 $0x1, v18;
	v18 =	vshrl.u32 v2, $0x15  }
0x72: {  	v25 =	vshrl.u32 v1, $0x15;
	s25 =	sadd.s32 $0xB780, s8;
	s20 =	sor.u32 s4, s22;
	s22 =	sor.u32 s6, s24;
	[tilespmem:s21+$0x0] =	vst v17;
	v17 =	vand.u32 $0x1, v18;
	v18 =	vshrl.u32 v2, $0x16  }
0x73: {  	s26 =	sadd.s32 $0xB800, s8;
	v26 =	vshrl.u32 v1, $0x16;
	s21 =	sor.u32 s4, s23;
	s23 =	sor.u32 s6, s25;
	[tilespmem:s22+$0x0] =	vst v17;
	v17 =	vand.u32 $0x1, v18;
	v18 =	vshrl.u32 v2, $0x17  }
0x74: {  	s28 =	sadd.s32 $0xDC80, s8;
	v27 =	vshrl.u32 v1, $0x17;
	s22 =	sor.u32 s4, s24;
	s24 =	sor.u32 s6, s26;
	[tilespmem:s23+$0x0] =	vst v17;
	v17 =	vand.u32 $0x1, v18;
	v18 =	vshrl.u32 v2, $0x18  }
0x75: {  	v28 =	vshrl.u32 v1, $0x18;
	s29 =	sor.u32 s6, s28;
	s23 =	sor.u32 s4, s25;
	s25 =	sadd.s32 $0xDD00, s8;
	[tilespmem:s24+$0x0] =	vst v17;
	v17 =	vand.u32 $0x1, v18;
	v18 =	vshrl.u32 v2, $0x19  }
0x76: {  	s30 =	sadd.s32 $0xDD80, s8;
	v29 =	vshrl.u32 v1, $0x19;
	s24 =	sor.u32 s4, s26;
	[tilespmem:s29+$0x0] =	vst v17;
	v17 =	vand.u32 $0x1, v18;
	s29 =	sor.u32 s6, s25;
	v18 =	vshrl.u32 v2, $0x1A  }
0x77: {  	v30 =	vshrl.u32 v1, $0x1A;
	s8 =	sadd.s32 $0xDE00, s8;
	s26 =	sor.u32 s4, s28;
	v2 =	vshrl.u32 v2, $0x1B;
	[tilespmem:s29+$0x0] =	vst v17;
	v17 =	vand.u32 $0x1, v18;
	s29 =	sor.u32 s6, s30  }
0x78: {  	v4 =	vand.u32 $0x1, v4;
	s28 =	sor.u32 s4, s25;
	s25 =	sor.u32 s4, s30;
	v18 =	vshrl.u32 v1, $0x1B;
	v2 =	vand.u32 $0x1, v2;
	s6 =	sor.u32 s6, s8;
	[tilespmem:s29+$0x0] =	vst v17  }
0x79: {  	v3 =	vand.u32 $0x1, v3;
	v5 =	vand.u32 $0x1, v5;
	v6 =	vand.u32 $0x1, v6;
	s4 =	sor.u32 s4, s8;
	[tilespmem:s6+$0x0] =	vst v2  }
0x7a: {  	v31 =	vand.u32 $0x1, v8;
	v32 =	vand.u32 $0x1, v9;
	v17 =	vand.u32 $0x1, v7;
	[tilespmem:s0+$0x80] =	vst v4  }
0x7b: {  	v33 =	vand.u32 $0x1, v10;
	v34 =	vand.u32 $0x1, v11;
	v35 =	vand.u32 $0x1, v12;
	[tilespmem:s0+$0x100] =	vst v3  }
0x7c: {  	v36 =	vand.u32 $0x1, v13;
	v2 =	vand.u32 $0x1, v14;
	v4 =	vand.u32 $0x1, v15;
	[tilespmem:s0+$0x180] =	vst v5  }
0x7d: {  	v8 =	vand.u32 $0x1, v20;
	v7 =	vand.u32 $0x1, v16;
	v5 =	vand.u32 $0x1, v19;
	[tilespmem:s0+$0x200] =	vst v6  }
0x7e: {  	v9 =	vand.u32 $0x1, v22;
	v10 =	vand.u32 $0x1, v21;
	v13 =	vand.u32 $0x1, v23;
	[tilespmem:s0+$0x280] =	vst v17  }
0x7f: {  	v11 =	vand.u32 $0x1, v25;
	v14 =	vand.u32 $0x1, v24;
	v15 =	vand.u32 $0x1, v26;
	[tilespmem:s0+$0x300] =	vst v31  }
0x80: {  	v12 =	vand.u32 $0x1, v28;
	v16 =	vand.u32 $0x1, v27;
	v6 =	vand.u32 $0x1, v29;
	[tilespmem:s0+$0x380] =	vst v32  }
0x81: {  	v1 =	vand.u32 $0x1, v1;
	v3 =	vand.u32 $0x1, v30;
	[tilespmem:s17+$0x0] =	vst v0;
	v0 =	vand.u32 $0x1, v18;
	s17 =	smov.u32 s4  }
.Ltmp0:
0x82: {  	[tilespmem:s0+$0x0] =	vst v1;
	(pc) =	sbr.rel @p1 .LBB2_3-.Ltmp0, $4  }
0x83: {  	[tilespmem:s3+$0x0] =	vst v33  }
0x84: {  	[tilespmem:s7+$0x0] =	vst v34  }
0x85: {  	[tilespmem:s9+$0x0] =	vst v35  }
0x86: {  	s18 =	sadd.s32 $0x20, s18;
	[tilespmem:s11+$0x0] =	vst v36  }
0x87: {  	[tilespmem:s1+$0x0] =	vst v2  }
0x88: {  	[tilespmem:s2+$0x0] =	vst v4  }
0x89: {  	[tilespmem:s5+$0x0] =	vst v7  }
0x8a: {  	[tilespmem:s10+$0x0] =	vst v5  }
0x8b: {  	[tilespmem:s12+$0x0] =	vst v8  }
0x8c: {  	[tilespmem:s13+$0x0] =	vst v10  }
0x8d: {  	[tilespmem:s14+$0x0] =	vst v9  }
0x8e: {  	[tilespmem:s20+$0x0] =	vst v13  }
0x8f: {  	[tilespmem:s21+$0x0] =	vst v14  }
0x90: {  	[tilespmem:s22+$0x0] =	vst v11  }
0x91: {  	[tilespmem:s23+$0x0] =	vst v15  }
0x92: {  	[tilespmem:s24+$0x0] =	vst v16  }
0x93: {  	s0 =	rddreg [dreg:$0x18];
	[tilespmem:s26+$0x0] =	vst v12  }
0x94: {  	s0 =	smul.u32 $0x14, s0;
	[tilespmem:s28+$0x0] =	vst v6  }
0x95: {  	s1 =	rddreg [dreg:$0x11]  }
0x96: {  	s3 =	simm.s32 $0x640000;
	[tilespmem:s25+$0x0] =	vst v3;
	s0 =	sadd.s32 s1, s0  }
0x97: {  	s4 =	simm.s32 $0x6480;
	s23 =	rddreg [dreg:$0x2];
	[tilespmem:s17+$0x0] =	vst v0;
	s0 =	sshll.u32 s0, $0x7  }
0x98: {  	s24 =	simm.s32 $0x2800;
	s25 =	rddreg [dreg:$0x13];
	s1 =	sadd.s32 s23, s0  }
0x99: {  	[hbm4b:s1+s24] =	stream.strided.scatter [tilespmem:s4], [sflag:$0x1], $0x7800, s3, s24, $0x38;
	[tilespmem:$0x1A480] =	vst v63  }
0x9a: {  	s26 =	simm.s32 $0x0;
	s0 =	sadd.s32 s0, s25;
	s3 =	simm.s32 $0xDC80  }
0x9b: {  	[hbm4b:s0+s26] =	stream.linear.scatter [tilespmem:s3], [sflag:$0x1], $0x200, $0x38;
	[tilespmem:$0x1A480] =	vst v63  }
0x9c: {  	s5 =	simm.s32 $0xE080;
	s4 =	sadd.s32 $0x80, s0  }
0x9d: {  	[hbm4b:s4+s26] =	stream.linear.scatter [tilespmem:s5], [sflag:$0x1], $0x200, $0x38;
	[tilespmem:$0x1A480] =	vst v63  }
0x9e: {  	s7 =	simm.s32 $0xE480;
	s6 =	sadd.s32 $0x100, s0  }
0x9f: {  	[hbm4b:s6+s26] =	stream.linear.scatter [tilespmem:s7], [sflag:$0x1], $0x200, $0x38;
	[tilespmem:$0x1A480] =	vst v63  }
0xa0: {  	s9 =	simm.s32 $0xE880;
	s8 =	sadd.s32 $0x180, s0  }
0xa1: {  	[hbm4b:s8+s26] =	stream.linear.scatter [tilespmem:s9], [sflag:$0x1], $0x200, $0x38;
	[tilespmem:$0x1A480] =	vst v63  }
0xa2: {  	s11 =	simm.s32 $0xEC80;
	s10 =	sadd.s32 $0x200, s0  }
0xa3: {  	[hbm4b:s10+s26] =	stream.linear.scatter [tilespmem:s11], [sflag:$0x1], $0x200, $0x38;
	[tilespmem:$0x1A480] =	vst v63  }
0xa4: {  	s13 =	simm.s32 $0xF080;
	s12 =	sadd.s32 $0x280, s0  }
0xa5: {  	[hbm4b:s12+s26] =	stream.linear.scatter [tilespmem:s13], [sflag:$0x1], $0x200, $0x38;
	[tilespmem:$0x1A480] =	vst v63  }
0xa6: {  	s15 =	simm.s32 $0xF480;
	s14 =	sadd.s32 $0x300, s0  }
0xa7: {  	[hbm4b:s14+s26] =	stream.linear.scatter [tilespmem:s15], [sflag:$0x1], $0x200, $0x38;
	[tilespmem:$0x1A480] =	vst v63  }
0xa8: {  	s17 =	simm.s32 $0xF880;
	s16 =	sadd.s32 $0x380, s0  }
0xa9: {  	[hbm4b:s16+s26] =	stream.linear.scatter [tilespmem:s17], [sflag:$0x1], $0x200, $0x38;
	[tilespmem:$0x1A480] =	vst v63  }
0xaa: {  	s19 =	simm.s32 $0xFC80;
	s18 =	sadd.s32 $0x400, s0  }
0xab: {  	[hbm4b:s18+s26] =	stream.linear.scatter [tilespmem:s19], [sflag:$0x1], $0x200, $0x38;
	[tilespmem:$0x1A480] =	vst v63  }
0xac: {  	s20 =	simm.s32 $0x10080;
	s0 =	sadd.s32 $0x480, s0  }
0xad: {  	[hbm4b:s0+s26] =	stream.linear.scatter [tilespmem:s20], [sflag:$0x1], $0x200, $0x38;
	[tilespmem:$0x1A480] =	vst v63  }
0xae: {  	s0 =	simm.s32 @!p0 $0x2  }
0xaf: {  	_ =	swait.ge @!p0 [sflag:s0], $0x7800  }
0xb0: {  	[sflag:s0] =	ssyncset.done @!p0 $0x0  }
0xb1: {  	[sflag:s0] =	ssyncadd.s32 @!p0 $0xFFFF8800  }
0xb2: {  	_ =	swait.ge @!p0 [sflag:s0], $0x1400  }
0xb3: {  	[sflag:s0] =	ssyncset.done @!p0 $0x0;
	s21 =	rddreg [dreg:$0x16]  }
0xb4: {  	[sflag:s0] =	ssyncadd.s32 @!p0 $0xFFFFEC00;
	[dreg:$0x16] =	wrdreg s21  }
0xb5: {  	v0 =	vld [tilespmem:s21+$0x0];
	_ =	sdelay $0x4  }
0xb6: {  	v2 =	vld [tilespmem:s21+$0xFFFFFFF0];
	_ =	sdelay $0x2  }
0xb7: {  	v1 =	vld.idx.msk [tilespmem:v0+s31+$0x0], $0xffff;
	_ =	sdelay $0x1  }
0xb8: {  	s15 =	simm.s32 $0x0  }
0xb9: {  	s3 =	sand.u32 $0x3C00, s15;
	s16 =	simm.s32 $0x10  }
0xba: {  	s2 =	sand.u32 $0x70, s16;
	s19 =	sadd.s32 $0x10480, s3  }
0xbb: {  	s18 =	sadd.s32 $0x10500, s3;
	s22 =	sor.u32 s2, s19;
	v0 =	vld.idx.msk [tilespmem:v2+s31+$0x0], $0xffff;
	v5 =	vand.u32 $0x1, v1;
	v2 =	vshrl.u32 v1, $0x1  }
0xbc: {  	s23 =	sor.u32 s2, s18;
	s20 =	sadd.s32 $0x10580, s3;
	v4 =	vshrl.u32 v1, $0x2;
	v6 =	vand.u32 $0x1, v2;
	[tilespmem:s22+$0x0] =	vst v5  }
0xbd: {  	s13 =	sadd.s32 $0x10600, s3;
	s24 =	sor.u32 s2, s20;
	v8 =	vshrl.u32 v1, $0x3;
	v7 =	vand.u32 $0x1, v4;
	[tilespmem:s23+$0x0] =	vst v6  }
0xbe: {  	s12 =	sadd.s32 $0x10680, s3;
	s25 =	sor.u32 s2, s13;
	v9 =	vshrl.u32 v1, $0x4;
	v8 =	vand.u32 $0x1, v8;
	[tilespmem:s24+$0x0] =	vst v7  }
0xbf: {  	s11 =	sadd.s32 $0x10700, s3;
	s26 =	sor.u32 s2, s12;
	v10 =	vshrl.u32 v1, $0x5;
	v9 =	vand.u32 $0x1, v9;
	[tilespmem:s25+$0x0] =	vst v8  }
0xc0: {  	s8 =	sadd.s32 $0x10780, s3;
	s1 =	sor.u32 s2, s11;
	v11 =	vshrl.u32 v1, $0x6;
	v10 =	vand.u32 $0x1, v10;
	[tilespmem:s26+$0x0] =	vst v9  }
0xc1: {  	s7 =	sadd.s32 $0x10800, s3;
	s4 =	sor.u32 s2, s8;
	v12 =	vshrl.u32 v1, $0x7;
	v11 =	vand.u32 $0x1, v11;
	[tilespmem:s1+$0x0] =	vst v10  }
0xc2: {  	s5 =	sor.u32 s2, s7;
	s0 =	sadd.s32 $0x12C80, s3;
	v13 =	vshrl.u32 v1, $0x8;
	v12 =	vand.u32 $0x1, v12;
	[tilespmem:s4+$0x0] =	vst v11  }
0xc3: {  	s6 =	sor.u32 s2, s0;
	v14 =	vshrl.u32 v1, $0x9;
	v13 =	vand.u32 $0x1, v13;
	s1 =	sadd.s32 $0x12D00, s3;
	[tilespmem:s5+$0x0] =	vst v12  }
0xc4: {  	v15 =	vshrl.u32 v1, $0xA;
	v14 =	vand.u32 $0x1, v14;
	s4 =	sadd.s32 $0x12D80, s3;
	s9 =	sor.u32 s2, s1;
	[tilespmem:s6+$0x0] =	vst v13  }
0xc5: {  	s28 =	sadd.s32 $0x12E00, s3;
	v16 =	vshrl.u32 v1, $0xB;
	v15 =	vand.u32 $0x1, v15;
	s10 =	sor.u32 s2, s4;
	[tilespmem:s9+$0x0] =	vst v14  }
0xc6: {  	s14 =	sor.u32 s2, s28;
	v17 =	vshrl.u32 v1, $0xC;
	v16 =	vand.u32 $0x1, v16;
	s25 =	sadd.s32 $0x12E80, s3;
	[tilespmem:s10+$0x0] =	vst v15  }
0xc7: {  	v18 =	vshrl.u32 v1, $0xD;
	v17 =	vand.u32 $0x1, v17;
	s23 =	sadd.s32 $0x12F00, s3;
	s17 =	sor.u32 s2, s25;
	[tilespmem:s14+$0x0] =	vst v16  }
0xc8: {  	v19 =	vshrl.u32 v1, $0xE;
	v18 =	vand.u32 $0x1, v18;
	s22 =	sadd.s32 $0x12F80, s3;
	s21 =	sor.u32 s2, s23;
	s9 =	simm.s32 $0x0;
	[tilespmem:s17+$0x0] =	vst v17  }
0xc9: {  	s24 =	sor.u32 s2, s22;
	v15 =	vand.u32 $0x1, v19;
	s29 =	sand.u32 $0x60, s9;
	[tilespmem:s21+$0x0] =	vst v18  }
0xca: {  	v19 =	vshrl.u32 v1, $0xF;
	s14 =	sadd.s32 $0x13000, s3;
	s10 =	sor.u32 s29, s19;
	[tilespmem:s24+$0x0] =	vst v15  }
0xcb: {  	v16 =	vand.u32 $0x1, v19;
	s26 =	sor.u32 s2, s14;
	[dreg:$0x1b] =	wrdreg s10  }
0xcc: {  	s6 =	sadd.s32 $0x15480, s3;
	v19 =	vshrl.u32 v1, $0x10;
	s19 =	sor.u32 s29, s18;
	[tilespmem:s26+$0x0] =	vst v16  }
0xcd: {  	v17 =	vand.u32 $0x1, v19;
	s17 =	sor.u32 s2, s6;
	[dreg:$0x1c] =	wrdreg s19  }
0xce: {  	v3 =	vshrl.u32 v0, $0x1;
	v19 =	vshrl.u32 v1, $0x11;
	s10 =	sadd.s32 $0x15500, s3;
	s26 =	sor.u32 s29, s20;
	[tilespmem:s17+$0x0] =	vst v17  }
0xcf: {  	v20 =	vshrl.u32 v0, $0xE;
	v21 =	vshrl.u32 v0, $0xF;
	v18 =	vand.u32 $0x1, v19;
	s21 =	sor.u32 s2, s10;
	[dreg:$0x1d] =	wrdreg s26  }
0xd0: {  	v22 =	vshrl.u32 v0, $0x10;
	v23 =	vshrl.u32 v0, $0x11;
	s13 =	sor.u32 s29, s13;
	v19 =	vshrl.u32 v1, $0x12;
	s24 =	sadd.s32 $0x15580, s3;
	[tilespmem:s21+$0x0] =	vst v18  }
0xd1: {  	v24 =	vshrl.u32 v0, $0x12;
	s5 =	sadd.s32 $0x15600, s3;
	v15 =	vand.u32 $0x1, v19;
	v19 =	vshrl.u32 v1, $0x13;
	s17 =	sor.u32 s2, s24;
	[dreg:$0x1a] =	wrdreg s13  }
0xd2: {  	v27 =	vshrl.u32 v0, $0x13;
	v28 =	vshrl.u32 v0, $0x14;
	s18 =	sor.u32 s2, s5;
	v16 =	vand.u32 $0x1, v19;
	[tilespmem:s17+$0x0] =	vst v15  }
0xd3: {  	v29 =	vshrl.u32 v0, $0x15;
	v30 =	vshrl.u32 v0, $0x16;
	v19 =	vshrl.u32 v1, $0x14;
	s19 =	sor.u32 s29, s12;
	s17 =	sadd.s32 $0x15680, s3;
	[tilespmem:s18+$0x0] =	vst v16  }
0xd4: {  	v31 =	vshrl.u32 v0, $0x17;
	v17 =	vand.u32 $0x1, v19;
	v19 =	vshrl.u32 v1, $0x15;
	s18 =	sadd.s32 $0x15700, s3;
	s20 =	sor.u32 s2, s17;
	[dreg:$0x1e] =	wrdreg s19  }
0xd5: {  	v32 =	vshrl.u32 v0, $0x18;
	v18 =	vand.u32 $0x1, v19;
	v19 =	vshrl.u32 v1, $0x16;
	s21 =	sor.u32 s2, s18;
	[tilespmem:s20+$0x0] =	vst v17;
	s20 =	sadd.s32 $0x15780, s3  }
0xd6: {  	v33 =	vshrl.u32 v0, $0x19;
	v15 =	vand.u32 $0x1, v19;
	v19 =	vshrl.u32 v1, $0x17;
	[tilespmem:s21+$0x0] =	vst v18;
	s21 =	sadd.s32 $0x15800, s3;
	s9 =	sor.u32 s2, s20  }
0xd7: {  	v34 =	vshrl.u32 v0, $0x1A;
	v35 =	vshrl.u32 v0, $0x1B;
	s26 =	sor.u32 s29, s11;
	v16 =	vand.u32 $0x1, v19;
	[tilespmem:s9+$0x0] =	vst v15;
	s11 =	sor.u32 s2, s21  }
0xd8: {  	v2 =	vshrl.u32 v0, $0x2;
	v4 =	vshrl.u32 v0, $0x3;
	s0 =	sor.u32 s29, s0;
	v19 =	vshrl.u32 v1, $0x18;
	s19 =	sadd.s32 $0x17C80, s3;
	[tilespmem:s11+$0x0] =	vst v16  }
0xd9: {  	v5 =	vshrl.u32 v0, $0x4;
	s13 =	sadd.s32 $0x17D00, s3;
	v17 =	vand.u32 $0x1, v19;
	v19 =	vshrl.u32 v1, $0x19;
	s12 =	sor.u32 s2, s19;
	[dreg:$0x4] =	wrdreg s0  }
0xda: {  	v6 =	vshrl.u32 v0, $0x5;
	v18 =	vand.u32 $0x1, v19;
	v19 =	vshrl.u32 v1, $0x1A;
	s9 =	sadd.s32 $0x17D80, s3;
	s0 =	sor.u32 s2, s13;
	[tilespmem:s12+$0x0] =	vst v17  }
0xdb: {  	v7 =	vshrl.u32 v0, $0x6;
	s30 =	sor.u32 s29, s8;
	v1 =	vshrl.u32 v1, $0x1B;
	v19 =	vand.u32 $0x1, v19;
	s3 =	sadd.s32 $0x17E00, s3;
	s8 =	sor.u32 s2, s9;
	[tilespmem:s0+$0x0] =	vst v18  }
0xdc: {  	v8 =	vshrl.u32 v0, $0x7;
	v9 =	vshrl.u32 v0, $0x8;
	v1 =	vand.u32 $0x1, v1;
	s2 =	sor.u32 s2, s3;
	[tilespmem:s8+$0x0] =	vst v19  }
0xdd: {  	v10 =	vshrl.u32 v0, $0x9;
	v11 =	vshrl.u32 v0, $0xA;
	v12 =	vshrl.u32 v0, $0xB;
	[tilespmem:s2+$0x0] =	vst v1  }
0xde: {  	v13 =	vshrl.u32 v0, $0xC;
	v14 =	vshrl.u32 v0, $0xD;
	v0 =	vand.u32 $0x1, v0;
	s11 =	rddreg [dreg:$0x1b]  }
0xdf: {  	[tilespmem:s11+$0x0] =	vst v0  }
0xe0: {  	v3 =	vand.u32 $0x1, v3;
	s0 =	rddreg [dreg:$0x1c]  }
0xe1: {  	s31 =	sor.u32 s29, s7;
	s1 =	sor.u32 s29, s1;
	[tilespmem:s0+$0x0] =	vst v3  }
0xe2: {  	v2 =	vand.u32 $0x1, v2;
	v4 =	vand.u32 $0x1, v4;
	s4 =	sor.u32 s29, s4;
	s7 =	sor.u32 s29, s25;
	s0 =	rddreg [dreg:$0x1d]  }
0xe3: {  	v36 =	vand.u32 $0x1, v5;
	v5 =	vand.u32 $0x1, v30;
	v26 =	vand.u32 $0x1, v6;
	s25 =	sor.u32 s29, s23;
	s14 =	sor.u32 s29, s14;
	s6 =	sor.u32 s29, s6;
	[tilespmem:s0+$0x0] =	vst v2  }
0xe4: {  	v6 =	vand.u32 $0x1, v29;
	v25 =	vand.u32 $0x1, v7;
	v7 =	vand.u32 $0x1, v28;
	s10 =	sor.u32 s29, s10;
	s23 =	sor.u32 s29, s17;
	s0 =	rddreg [dreg:$0x1a]  }
0xe5: {  	v10 =	vand.u32 $0x1, v10;
	v14 =	vand.u32 $0x1, v14;
	s18 =	sor.u32 s29, s18;
	s17 =	sor.u32 s29, s20;
	s20 =	sor.u32 s29, s13;
	v15 =	vand.u32 $0x1, v8;
	[tilespmem:s0+$0x0] =	vst v4  }
0xe6: {  	v16 =	vand.u32 $0x1, v9;
	v9 =	vand.u32 $0x1, v11;
	v11 =	vand.u32 $0x1, v27;
	s13 =	sor.u32 s29, s9;
	s3 =	sor.u32 s29, s3;
	s0 =	rddreg [dreg:$0x1e]  }
0xe7: {  	s12 =	sor.u32 s29, s28;
	v17 =	vand.u32 $0x1, v12;
	v12 =	vand.u32 $0x1, v13;
	v13 =	vand.u32 $0x1, v24;
	s28 =	simm.s32 $0x0;
	s8 =	sor.u32 s29, s22;
	[tilespmem:s0+$0x0] =	vst v36  }
0xe8: {  	v18 =	vand.u32 $0x1, v21;
	v21 =	vand.u32 $0x1, v23;
	v19 =	vand.u32 $0x1, v20;
	s2 =	sor.u32 s29, s24;
	s24 =	sor.u32 s29, s21;
	s0 =	rddreg [dreg:$0x18]  }
0xe9: {  	v20 =	vand.u32 $0x1, v22;
	v1 =	vand.u32 $0x1, v34;
	s11 =	sor.u32 s29, s5;
	v0 =	vand.u32 $0x1, v35;
	s22 =	rddreg [dreg:$0x16];
	s0 =	sshllo.u32 s0, $0x1  }
0xea: {  	s5 =	sor.u32 s29, s19;
	v3 =	vand.u32 $0x1, v32;
	v2 =	vand.u32 $0x1, v33;
	v4 =	vand.u32 $0x1, v31;
	s29 =	sadd.s32 $0x20, s22;
	[dreg:$0x19] =	wrdreg s0  }
.LBB2_5:
0xeb: {  	v8 =	vld [tilespmem:s29+$0x0];
	[tilespmem:s26+$0x0] =	vst v26  }
0xec: {  	v22 =	vld [tilespmem:s29+$0xFFFFFFF0];
	[tilespmem:s30+$0x0] =	vst v25  }
0xed: {  	s0 =	rddreg [dreg:$0x4];
	[tilespmem:s31+$0x0] =	vst v15  }
0xee: {  	[tilespmem:s0+$0x0] =	vst v16  }
0xef: {  	[tilespmem:s1+$0x0] =	vst v10  }
0xf0: {  	[tilespmem:s4+$0x0] =	vst v9  }
0xf1: {  	[tilespmem:s12+$0x0] =	vst v17  }
0xf2: {  	[dreg:$0x7] =	wrdreg s13;
	s26 =	simm.s32 $0x6400;
	s15 =	sadd.s32 $0x100, s15;
	[tilespmem:s7+$0x0] =	vst v12  }
0xf3: {  	[dreg:$0x5] =	wrdreg s3;
	s16 =	sadd.s32 $0x20, s16;
	s9 =	sand.u32 $0x3C00, s15;
	v9 =	vld.idx.msk [tilespmem:v8+s26+$0x0], $0xffff;
	[tilespmem:s25+$0x0] =	vst v14  }
0xf4: {  	s3 =	sand.u32 $0x70, s16;
	s30 =	smov.u32 s5;
	s1 =	sadd.s32 $0xFFFFFFF0, s16;
	v8 =	vld.idx.msk [tilespmem:v22+s26+$0x0], $0xffff;
	[tilespmem:s8+$0x0] =	vst v19  }
0xf5: {  	s21 =	sadd.s32 $0x10700, s9;
	s4 =	sadd.s32 $0x10480, s9;
	s13 =	sand.u32 $0x60, s1;
	[tilespmem:s14+$0x0] =	vst v18  }
0xf6: {  	s31 =	smov.u32 s17;
	s17 =	sadd.s32 $0x15500, s9;
	s1 =	sor.u32 s13, s4;
	[tilespmem:s6+$0x0] =	vst v20  }
0xf7: {  	s5 =	sadd.s32 $0x15780, s9;
	s7 =	sor.u32 s3, s4;
	[dreg:$0x6] =	wrdreg s1;
	[tilespmem:s10+$0x0] =	vst v21  }
0xf8: {  	s4 =	sadd.s32 $0x10800, s9;
	s25 =	sadd.s32 $0x10780, s9;
	s8 =	sadd.s32 $0x10580, s9;
	[tilespmem:s2+$0x0] =	vst v13  }
0xf9: {  	s26 =	sor.u32 s3, s21;
	s12 =	sor.u32 s3, s8;
	s6 =	sadd.s32 $0x10500, s9;
	v12 =	vand.u32 $0x1, v9;
	v13 =	vshrl.u32 v9, $0x1;
	[tilespmem:s11+$0x0] =	vst v11  }
0xfa: {  	s1 =	sor.u32 s13, s8;
	s14 =	sadd.s32 $0x10680, s9;
	s10 =	sor.u32 s3, s6;
	[tilespmem:s7+$0x0] =	vst v12;
	v12 =	vand.u32 $0x1, v13;
	v13 =	vshrl.u32 v9, $0x2  }
0xfb: {  	s8 =	sor.u32 s3, s4;
	[dreg:$0x9] =	wrdreg s1;
	v14 =	vshrl.u32 v9, $0x3;
	s11 =	sadd.s32 $0x10600, s9;
	[tilespmem:s10+$0x0] =	vst v12;
	v13 =	vand.u32 $0x1, v13  }
0xfc: {  	s22 =	sor.u32 s3, s14;
	s1 =	sor.u32 s13, s14;
	v15 =	vshrl.u32 v9, $0x4;
	v14 =	vand.u32 $0x1, v14;
	s19 =	sor.u32 s3, s11;
	[tilespmem:s12+$0x0] =	vst v13  }
0xfd: {  	s14 =	sadd.s32 $0x12D80, s9;
	s0 =	sor.u32 s13, s6;
	[dreg:$0xb] =	wrdreg s1;
	v16 =	vshrl.u32 v9, $0x5;
	v15 =	vand.u32 $0x1, v15;
	[tilespmem:s19+$0x0] =	vst v14  }
0xfe: {  	s6 =	sor.u32 s3, s25;
	s1 =	sor.u32 s13, s25;
	[dreg:$0x8] =	wrdreg s0;
	v17 =	vshrl.u32 v9, $0x6;
	v16 =	vand.u32 $0x1, v16;
	[tilespmem:s22+$0x0] =	vst v15  }
0xff: {  	s25 =	sor.u32 s3, s14;
	v18 =	vshrl.u32 v9, $0x7;
	[dreg:$0xc] =	wrdreg s1;
	v17 =	vand.u32 $0x1, v17;
	s7 =	sadd.s32 $0x12C80, s9;
	[tilespmem:s26+$0x0] =	vst v16  }
0x100: {  	v19 =	vshrl.u32 v9, $0x8;
	v18 =	vand.u32 $0x1, v18;
	s0 =	sor.u32 s13, s11;
	s10 =	sadd.s32 $0x12D00, s9;
	s11 =	sor.u32 s3, s7;
	[tilespmem:s6+$0x0] =	vst v17  }
0x101: {  	v20 =	vshrl.u32 v9, $0x9;
	v19 =	vand.u32 $0x1, v19;
	[dreg:$0xa] =	wrdreg s0;
	s0 =	sor.u32 s13, s21;
	s12 =	sor.u32 s13, s7;
	[tilespmem:s8+$0x0] =	vst v18  }
0x102: {  	v21 =	vshrl.u32 v9, $0xA;
	v20 =	vand.u32 $0x1, v20;
	s21 =	sor.u32 s13, s10;
	[dreg:$0xd] =	wrdreg s0;
	s19 =	sor.u32 s3, s10;
	[tilespmem:s11+$0x0] =	vst v19  }
0x103: {  	v22 =	vshrl.u32 v9, $0xB;
	v21 =	vand.u32 $0x1, v21;
	s0 =	sor.u32 s13, s4;
	[dreg:$0x4] =	wrdreg s12;
	s22 =	sadd.s32 $0x12E00, s9;
	[tilespmem:s19+$0x0] =	vst v20  }
0x104: {  	v23 =	vshrl.u32 v9, $0xC;
	v22 =	vand.u32 $0x1, v22;
	[dreg:$0xf] =	wrdreg s0;
	s26 =	sadd.s32 $0x12E80, s9;
	s0 =	sor.u32 s3, s22;
	[tilespmem:s25+$0x0] =	vst v21  }
0x105: {  	s1 =	sadd.s32 $0x12F00, s9;
	v24 =	vshrl.u32 v9, $0xD;
	v23 =	vand.u32 $0x1, v23;
	[dreg:$0xe] =	wrdreg s21;
	s10 =	sor.u32 s3, s26;
	[tilespmem:s0+$0x0] =	vst v22  }
0x106: {  	v25 =	vshrl.u32 v9, $0xE;
	v24 =	vand.u32 $0x1, v24;
	s4 =	sor.u32 s13, s14;
	s21 =	sor.u32 s3, s1;
	s11 =	sadd.s32 $0x12F80, s9;
	[tilespmem:s10+$0x0] =	vst v23  }
0x107: {  	v26 =	vshrl.u32 v9, $0xF;
	v25 =	vand.u32 $0x1, v25;
	s12 =	sor.u32 s13, s22;
	s22 =	sadd.s32 $0x13000, s9;
	s25 =	sor.u32 s3, s11;
	[tilespmem:s21+$0x0] =	vst v24  }
0x108: {  	s7 =	sor.u32 s13, s26;
	s26 =	sadd.s32 $0x15480, s9;
	s14 =	sor.u32 s3, s22;
	[tilespmem:s25+$0x0] =	vst v25;
	v25 =	vand.u32 $0x1, v26;
	v26 =	vshrl.u32 v9, $0x10  }
0x109: {  	v10 =	vshrl.u32 v8, $0x1;
	s6 =	sor.u32 s13, s26;
	s19 =	sor.u32 s3, s26;
	s8 =	sor.u32 s13, s11;
	[tilespmem:s14+$0x0] =	vst v25;
	v25 =	vand.u32 $0x1, v26;
	v26 =	vshrl.u32 v9, $0x11  }
0x10a: {  	v11 =	vshrl.u32 v8, $0x2;
	s0 =	sor.u32 s3, s17;
	s21 =	sadd.s32 $0x15580, s9;
	s25 =	sor.u32 s13, s1;
	[tilespmem:s19+$0x0] =	vst v25;
	v25 =	vand.u32 $0x1, v26;
	v26 =	vshrl.u32 v9, $0x12  }
0x10b: {  	v27 =	vshrl.u32 v8, $0x10;
	s1 =	sadd.s32 $0x15600, s9;
	s14 =	sor.u32 s13, s22;
	s22 =	sor.u32 s3, s21;
	[tilespmem:s0+$0x0] =	vst v25;
	v25 =	vand.u32 $0x1, v26;
	v26 =	vshrl.u32 v9, $0x13  }
0x10c: {  	v28 =	vshrl.u32 v8, $0x11;
	s26 =	smov.u32 s18;
	s19 =	sor.u32 s3, s1;
	s0 =	sadd.s32 $0x15680, s9;
	[tilespmem:s22+$0x0] =	vst v25;
	v25 =	vand.u32 $0x1, v26;
	v26 =	vshrl.u32 v9, $0x14  }
0x10d: {  	v29 =	vshrl.u32 v8, $0x12;
	s10 =	sor.u32 s13, s17;
	s17 =	sadd.s32 $0x15700, s9;
	[tilespmem:s19+$0x0] =	vst v25;
	v25 =	vand.u32 $0x1, v26;
	s19 =	sor.u32 s3, s0;
	v26 =	vshrl.u32 v9, $0x15  }
0x10e: {  	v30 =	vshrl.u32 v8, $0x13;
	s2 =	sor.u32 s13, s21;
	s21 =	sor.u32 s3, s17;
	s11 =	sor.u32 s13, s1;
	[tilespmem:s19+$0x0] =	vst v25;
	v25 =	vand.u32 $0x1, v26;
	v26 =	vshrl.u32 v9, $0x16  }
0x10f: {  	v31 =	vshrl.u32 v8, $0x14;
	s1 =	smov.u32 s20;
	s20 =	sadd.s32 $0x15800, s9;
	s22 =	sor.u32 s3, s5;
	[tilespmem:s21+$0x0] =	vst v25;
	v25 =	vand.u32 $0x1, v26;
	v26 =	vshrl.u32 v9, $0x17  }
0x110: {  	v32 =	vshrl.u32 v8, $0x15;
	s18 =	sor.u32 s13, s0;
	s0 =	sor.u32 s3, s20;
	s21 =	sadd.s32 $0x17C80, s9;
	[tilespmem:s22+$0x0] =	vst v25;
	v25 =	vand.u32 $0x1, v26;
	v26 =	vshrl.u32 v9, $0x18  }
0x111: {  	v33 =	vshrl.u32 v8, $0x16;
	v34 =	vshrl.u32 v8, $0x17;
	s22 =	sadd.s32 $0x17D00, s9;
	s19 =	sor.u32 s3, s21;
	[tilespmem:s0+$0x0] =	vst v25;
	v25 =	vand.u32 $0x1, v26  }
0x112: {  	v35 =	vshrl.u32 v8, $0x18;
	v36 =	vshrl.u32 v8, $0x19;
	v26 =	vshrl.u32 v9, $0x19;
	s0 =	smov.u32 s15;
	s15 =	smov.u32 s24;
	s24 =	smov.u32 s23;
	[tilespmem:s19+$0x0] =	vst v25  }
0x113: {  	v37 =	vshrl.u32 v8, $0x1A;
	v39 =	vshrl.u32 v8, $0x1B;
	v25 =	vand.u32 $0x1, v26;
	s19 =	sor.u32 s3, s22;
	[tilespmem:s24+$0x0] =	vst v7  }
0x114: {  	v12 =	vshrl.u32 v8, $0x3;
	v38 =	vand.u32 $0x1, v10;
	s23 =	sadd.s32 $0x17D80, s9;
	v26 =	vshrl.u32 v9, $0x1A;
	[tilespmem:s19+$0x0] =	vst v25  }
0x115: {  	v40 =	vand.u32 $0x1, v11;
	v11 =	vand.u32 $0x1, v30;
	v25 =	vand.u32 $0x1, v26;
	s19 =	sor.u32 s3, s23;
	[tilespmem:s26+$0x0] =	vst v6  }
0x116: {  	s28 =	sadd.s32 $0x2, s28;
	v13 =	vshrl.u32 v8, $0x4;
	v41 =	vand.u32 $0x1, v12;
	s17 =	sor.u32 s13, s17;
	s9 =	sadd.s32 $0x17E00, s9;
	v9 =	vshrl.u32 v9, $0x1B;
	[tilespmem:s19+$0x0] =	vst v25  }
0x117: {  	v14 =	vshrl.u32 v8, $0x5;
	v42 =	vand.u32 $0x1, v13;
	s5 =	sor.u32 s13, s5;
	s20 =	sor.u32 s13, s20;
	v9 =	vand.u32 $0x1, v9;
	s3 =	sor.u32 s3, s9;
	[tilespmem:s31+$0x0] =	vst v5  }
0x118: {  	v13 =	vand.u32 $0x1, v29;
	v15 =	vshrl.u32 v8, $0x6;
	v16 =	vshrl.u32 v8, $0x7;
	s21 =	sor.u32 s13, s21;
	s22 =	sor.u32 s13, s22;
	s26 =	rddreg [dreg:$0xd];
	[tilespmem:s3+$0x0] =	vst v9  }
0x119: {  	v17 =	vshrl.u32 v8, $0x8;
	v18 =	vshrl.u32 v8, $0x9;
	v19 =	vshrl.u32 v8, $0xA;
	s24 =	smov.u32 s20;
	s20 =	smov.u32 s22;
	s22 =	rddreg [dreg:$0x6];
	[tilespmem:s15+$0x0] =	vst v4  }
0x11a: {  	v10 =	vand.u32 $0x1, v18;
	v20 =	vshrl.u32 v8, $0xB;
	v21 =	vshrl.u32 v8, $0xC;
	s9 =	sor.u32 s13, s9;
	s19 =	sor.u32 s13, s23;
	s31 =	rddreg [dreg:$0xf];
	[tilespmem:s30+$0x0] =	vst v3  }
0x11b: {  	v22 =	vshrl.u32 v8, $0xD;
	v12 =	vand.u32 $0x1, v21;
	v21 =	vand.u32 $0x1, v28;
	s23 =	smov.u32 s18;
	s18 =	smov.u32 s17;
	s13 =	rddreg [dreg:$0x7];
	[tilespmem:s1+$0x0] =	vst v2  }
0x11c: {  	v23 =	vshrl.u32 v8, $0xE;
	v24 =	vshrl.u32 v8, $0xF;
	v8 =	vand.u32 $0x1, v8;
	s17 =	smov.u32 s5;
	s5 =	smov.u32 s21;
	s21 =	rddreg [dreg:$0x5];
	[tilespmem:s13+$0x0] =	vst v1  }
0x11d: {  	p0 =	slt.u32 s28, $0x4E;
	v18 =	vand.u32 $0x1, v24;
	v7 =	vand.u32 $0x1, v31;
	v26 =	vand.u32 $0x1, v14;
	s3 =	smov.u32 s9;
	s9 =	rddreg [dreg:$0x8];
	[tilespmem:s21+$0x0] =	vst v0  }
.Ltmp1:
0x11e: {  	v14 =	vand.u32 $0x1, v22;
	v6 =	vand.u32 $0x1, v32;
	v25 =	vand.u32 $0x1, v15;
	s30 =	rddreg [dreg:$0xc];
	[tilespmem:s22+$0x0] =	vst v8;
	(pc) =	sbr.rel @p0 .LBB2_5-.Ltmp1, $4  }
0x11f: {  	v15 =	vand.u32 $0x1, v16;
	v16 =	vand.u32 $0x1, v17;
	v17 =	vand.u32 $0x1, v20;
	s13 =	smov.u32 s19;
	s19 =	rddreg [dreg:$0x9];
	[tilespmem:s9+$0x0] =	vst v38  }
0x120: {  	v20 =	vand.u32 $0x1, v27;
	v5 =	vand.u32 $0x1, v33;
	v9 =	vand.u32 $0x1, v19;
	s21 =	rddreg [dreg:$0xa];
	[tilespmem:s19+$0x0] =	vst v40  }
0x121: {  	v19 =	vand.u32 $0x1, v23;
	v4 =	vand.u32 $0x1, v34;
	v3 =	vand.u32 $0x1, v35;
	s22 =	rddreg [dreg:$0xb];
	[tilespmem:s21+$0x0] =	vst v41  }
0x122: {  	s29 =	sadd.s32 $0x20, s29;
	s15 =	smov.u32 s0;
	s1 =	rddreg [dreg:$0xe];
	v2 =	vand.u32 $0x1, v36;
	v1 =	vand.u32 $0x1, v37;
	v0 =	vand.u32 $0x1, v39;
	[tilespmem:s22+$0x0] =	vst v42  }
0x123: {  	[tilespmem:s26+$0x0] =	vst v26  }
0x124: {  	[tilespmem:s30+$0x0] =	vst v25  }
0x125: {  	[tilespmem:s31+$0x0] =	vst v15  }
0x126: {  	s0 =	rddreg [dreg:$0x4]  }
0x127: {  	[tilespmem:s0+$0x0] =	vst v16  }
0x128: {  	[tilespmem:s1+$0x0] =	vst v10  }
0x129: {  	[tilespmem:s4+$0x0] =	vst v9  }
0x12a: {  	[tilespmem:s12+$0x0] =	vst v17  }
0x12b: {  	[tilespmem:s7+$0x0] =	vst v12  }
0x12c: {  	[tilespmem:s25+$0x0] =	vst v14  }
0x12d: {  	[tilespmem:s8+$0x0] =	vst v19  }
0x12e: {  	[tilespmem:s14+$0x0] =	vst v18  }
0x12f: {  	[tilespmem:s6+$0x0] =	vst v20  }
0x130: {  	[tilespmem:s10+$0x0] =	vst v21  }
0x131: {  	[tilespmem:s2+$0x0] =	vst v13  }
0x132: {  	[tilespmem:s11+$0x0] =	vst v11  }
0x133: {  	[tilespmem:s23+$0x0] =	vst v7  }
0x134: {  	[tilespmem:s18+$0x0] =	vst v6  }
0x135: {  	[tilespmem:s17+$0x0] =	vst v5  }
0x136: {  	[tilespmem:s24+$0x0] =	vst v4  }
0x137: {  	s0 =	rddreg [dreg:$0x19];
	[tilespmem:s5+$0x0] =	vst v3  }
0x138: {  	s0 =	smul.u32 $0xA, s0;
	[tilespmem:s20+$0x0] =	vst v2  }
0x139: {  	s1 =	rddreg [dreg:$0x11]  }
0x13a: {  	s4 =	rddreg [dreg:$0x2];
	[tilespmem:s13+$0x0] =	vst v1;
	s0 =	sadd.s32 s1, s0  }
0x13b: {  	s7 =	simm.s32 $0x10480;
	s6 =	simm.s32 $0x640000;
	[tilespmem:s3+$0x0] =	vst v0;
	s0 =	sshll.u32 s0, $0x7  }
0x13c: {  	s5 =	simm.s32 $0x2800;
	s8 =	rddreg [dreg:$0x13];
	s1 =	sadd.s32 s4, s0  }
0x13d: {  	[hbm4b:s1+s5] =	stream.strided.scatter [tilespmem:s7], [sflag:$0x2], $0x7800, s6, s5, $0x38;
	[tilespmem:$0x1A480] =	vst v63  }
0x13e: {  	s9 =	simm.s32 $0x0;
	s10 =	simm.s32 $0x17C80;
	s0 =	sadd.s32 s0, s8  }
0x13f: {  	[hbm4b:s0+s9] =	stream.linear.scatter [tilespmem:s10], [sflag:$0x2], $0x200, $0x38;
	[tilespmem:$0x1A480] =	vst v63  }
0x140: {  	s12 =	simm.s32 $0x18080;
	s11 =	sadd.s32 $0x80, s0  }
0x141: {  	[hbm4b:s11+s9] =	stream.linear.scatter [tilespmem:s12], [sflag:$0x2], $0x200, $0x38;
	[tilespmem:$0x1A480] =	vst v63  }
0x142: {  	s14 =	simm.s32 $0x18480;
	s13 =	sadd.s32 $0x100, s0  }
0x143: {  	[hbm4b:s13+s9] =	stream.linear.scatter [tilespmem:s14], [sflag:$0x2], $0x200, $0x38;
	[tilespmem:$0x1A480] =	vst v63  }
0x144: {  	s16 =	simm.s32 $0x18880;
	s15 =	sadd.s32 $0x180, s0  }
0x145: {  	[hbm4b:s15+s9] =	stream.linear.scatter [tilespmem:s16], [sflag:$0x2], $0x200, $0x38;
	[tilespmem:$0x1A480] =	vst v63  }
0x146: {  	s18 =	simm.s32 $0x18C80;
	s17 =	sadd.s32 $0x200, s0  }
0x147: {  	[hbm4b:s17+s9] =	stream.linear.scatter [tilespmem:s18], [sflag:$0x2], $0x200, $0x38;
	[tilespmem:$0x1A480] =	vst v63  }
0x148: {  	s20 =	simm.s32 $0x19080;
	s19 =	sadd.s32 $0x280, s0  }
0x149: {  	[hbm4b:s19+s9] =	stream.linear.scatter [tilespmem:s20], [sflag:$0x2], $0x200, $0x38;
	[tilespmem:$0x1A480] =	vst v63  }
0x14a: {  	s22 =	simm.s32 $0x19480;
	s29 =	rddreg [dreg:$0x18];
	s21 =	sadd.s32 $0x300, s0  }
0x14b: {  	[hbm4b:s21+s9] =	stream.linear.scatter [tilespmem:s22], [sflag:$0x2], $0x200, $0x38;
	[tilespmem:$0x1A480] =	vst v63  }
0x14c: {  	s24 =	simm.s32 $0x19880;
	s2 =	sadd.s32 $0x1, s29;
	s23 =	sadd.s32 $0x380, s0  }
0x14d: {  	[hbm4b:s23+s9] =	stream.linear.scatter [tilespmem:s24], [sflag:$0x2], $0x200, $0x38;
	[tilespmem:$0x1A480] =	vst v63  }
0x14e: {  	s26 =	simm.s32 $0x19C80;
	s25 =	sadd.s32 $0x400, s0;
	p0 =	sne.s32 s2, $0xA  }
0x14f: {  	[hbm4b:s25+s9] =	stream.linear.scatter [tilespmem:s26], [sflag:$0x2], $0x200, $0x38;
	[tilespmem:$0x1A480] =	vst v63  }
.Ltmp2:
0x150: {  	_ = 	snop;
	(pc) =	sbr.rel @p0 .LBB2_2-.Ltmp2, $4  }
0x151: {  	s28 =	simm.s32 $0x1A080;
	s31 =	rddreg [dreg:$0x16];
	s0 =	sadd.s32 $0x480, s0  }
0x152: {  	[hbm4b:s0+s9] =	stream.linear.scatter [tilespmem:s28], [sflag:$0x2], $0x200, $0x38;
	[tilespmem:$0x1A480] =	vst v63  }
0x153: {  	s30 =	rddreg [dreg:$0x17];
	s0 =	sadd.s32 $0xA00, s31  }
0x154: {  	s3 =	simm.s32 $0x6400;
	s1 =	sadd.s32 $0xA00, s30;
	[dreg:$0x16] =	wrdreg s0  }
0x155: {  	s0 =	simm.s32 $0x1  }
0x156: {  	_ =	swait.ge [sflag:s0], $0x7800  }
0x157: {  	[sflag:s0] =	ssyncset.done $0x0  }
0x158: {  	[sflag:s0] =	ssyncadd.s32 $0xFFFF8800  }
0x159: {  	_ =	swait.ge [sflag:s0], $0x1400  }
0x15a: {  	[sflag:s0] =	ssyncset.done $0x0  }
0x15b: {  	s1 =	simm.s32 $0x2;
	[sflag:s0] =	ssyncadd.s32 $0xFFFFEC00  }
0x15c: {  	_ =	swait.ge [sflag:s1], $0x7800  }
0x15d: {  	[sflag:s1] =	ssyncset.done $0x0  }
0x15e: {  	[sflag:s1] =	ssyncadd.s32 $0xFFFF8800  }
0x15f: {  	_ =	swait.ge [sflag:s1], $0x1400  }
0x160: {  	s2 =	rddreg [dreg:$0x15]  }
0x161: {  	s31 =	rddreg [dreg:$0x14];
	s2 =	sadd.s32 $0x1, s2  }
0x162: {  	p0 =	sne.s32 s2, s31  }
.Ltmp3:
0x163: {  	_ = 	snop;
	(pc) =	sbr.rel @p0 .LBB2_1-.Ltmp3, $3  }
0x164: {  	_ =	sdelay $0x1  }
0x165: {  	[sflag:s1] =	ssyncset.done $0x0  }
0x166: {  	[sflag:s1] =	ssyncadd.s32 $0xFFFFEC00  }
0x167: {  	_ =	sfence.sel $0x180000  }
0x168: {  	[bflag:$0x0] =	sbarrier.arrive $0xFFFF  }
0x169: {  	_ =	strace $0x90000047  }
0x16a: {  	s0 =	stileid.u32;
	[bflag:$0x2] =	sbarrier.arrive $0xFFFF  }
0x16b: {  	p0 =	sne.s32 s0, $0x0;
	s0 =	rddreg [dreg:$0x3]  }
0x16c: {  	s0 =	sadd.s32 @!p0 $0x100000, s0  }
0x16d: {  	[sflag:s0] =	ssyncadd.tile.s32 @!p0 $0x1;
	_ =	shalt  }
.Lfunc_end2:
_tile_overlayer_lowered:
.L_overlay_start_2:
0x16e: {  	(tag) =	ssettag $0x2  }
0x16f: {  	s0 =	rddreg [dreg:$0x0];
	s2 =	stileid.u32  }
0x170: {  	s1 =	rddreg [dreg:$0x1];
	p0 =	sne.s32 s2, $0x0  }
0x171: {  	s3 =	rddreg [dreg:$0x2];
	[bflag:$0x3] =	sbarrier.arrive $0xFFFF;
	s2 =	simm.s32 @!p0 $0x1C03  }
0x172: {  	[timem:s3], [sflag:s2] =	dma.local @!p0 [hbm:s0], s1  }
0x173: {  	s0 =	simm.s32 @!p0 $0x3  }
0x174: {  	_ =	swait.ge @!p0 [sflag:s0], s1  }
0x175: {  	s1 =	ssub.s32 @!p0 $0x0, s1;
	[sflag:s0] =	ssyncset.done @!p0 $0x0  }
0x176: {  	[sflag:s0] =	ssyncadd.s32 @!p0 s1  }
0x177: {  	[bflag:$0x3] =	sbarrier.arrive $0xFFFF  }
0x178: {  	_ =	shalt  }

</sc_bundles>
